<compile_context>
chip_gen: v7x
topology: tpu7x:2x2x1
jax: 0.10.2.dev20260603
libtpu: 0.0.44.dev20260713+nightly
codegen_flags: <defaults>
</compile_context>

<pallas_src>
import functools

import jax
import jax.numpy as jnp
from jax import lax
from jax.experimental import pallas as pl
from jax.experimental.pallas import tpu as pltpu
from jax.experimental.pallas import tpu_sc as plsc

N = 10000
E = 160000
D = 256
DIM = 32
C = 10

NC = 2
NS = 16
NW = NC * NS

CH = 1000
NCHUNKS = E // CH
CPW = NCHUNKS // NW
RPT = N // NS

_MESH = plsc.VectorSubcoreMesh(core_axis_name="c", subcore_axis_name="s")


@functools.partial(
    pl.kernel,
    out_type=jax.ShapeDtypeStruct((NC * N, DIM), jnp.float32),
    mesh=_MESH,
    scratch_types=[
        pltpu.VMEM((2, CH), jnp.int32),
        pltpu.VMEM((CH, DIM), jnp.float32),
        pltpu.VMEM_SHARED((N, DIM), jnp.float32),
        pltpu.SemaphoreType.DMA,
    ],
    compiler_params=pltpu.CompilerParams(use_tc_tiling_on_sc=False),
)
def _segsum_sc(m_hbm, ei_hbm, zeros_hbm, out_hbm,
               idx_v, rows_v, agg_sh, sem):
    c = lax.axis_index("c")
    s = lax.axis_index("s")
    wid = s * NC + c

    pltpu.sync_copy(zeros_hbm.at[pl.ds(s * RPT, RPT)],
                    agg_sh.at[pl.ds(s * RPT, RPT)])
    plsc.subcore_barrier()

    def body(g, carry):
        off = pl.multiple_of((g * NW + wid) * CH, CH)
        pltpu.sync_copy(ei_hbm.at[:, pl.ds(off, CH)], idx_v)
        pltpu.async_copy(m_hbm.at[idx_v.at[0]], rows_v, sem).wait()
        pltpu.sync_copy(rows_v, agg_sh.at[idx_v.at[1]], add=True)
        return carry

    lax.fori_loop(0, CPW, body, 0)
    plsc.subcore_barrier()

    pltpu.sync_copy(agg_sh.at[pl.ds(s * RPT, RPT)],
                    out_hbm.at[pl.ds(c * N + s * RPT, RPT)])


_RB = 2000
_G = N // _RB


def _mm_kernel(h_ref, wn_ref, ws_ref, m_ref, slf_ref):
    h = h_ref[...]
    m_ref[...] = jnp.dot(h, wn_ref[...], preferred_element_type=jnp.float32)
    slf_ref[...] = jnp.dot(h, ws_ref[...], preferred_element_type=jnp.float32)


def _mm(h, wn, ws):
    d_in = h.shape[1]
    return pl.pallas_call(
        _mm_kernel,
        grid=(_G,),
        in_specs=[
            pl.BlockSpec((_RB, d_in), lambda i: (i, 0)),
            pl.BlockSpec((d_in, DIM), lambda i: (0, 0)),
            pl.BlockSpec((d_in, DIM), lambda i: (0, 0)),
        ],
        out_specs=[
            pl.BlockSpec((_RB, DIM), lambda i: (i, 0)),
            pl.BlockSpec((_RB, DIM), lambda i: (i, 0)),
        ],
        out_shape=[
            jax.ShapeDtypeStruct((N, DIM), jnp.float32),
            jax.ShapeDtypeStruct((N, DIM), jnp.float32),
        ],
    )(h, wn, ws)


def _combine_mm_kernel(a0_ref, a1_ref, bn_ref, slf_ref, wn_ref, ws_ref,
                       h_ref, m_ref, slf2_ref):
    h = jnp.maximum(a0_ref[...] + a1_ref[...] + bn_ref[...] + slf_ref[...], 0.0)
    h_ref[...] = h
    m_ref[...] = jnp.dot(h, wn_ref[...], preferred_element_type=jnp.float32)
    slf2_ref[...] = jnp.dot(h, ws_ref[...], preferred_element_type=jnp.float32)


def _combine_mm(aggsc, bn, slf, wn, ws):
    a0 = aggsc[:N]
    a1 = aggsc[N:]
    return pl.pallas_call(
        _combine_mm_kernel,
        grid=(_G,),
        in_specs=[
            pl.BlockSpec((_RB, DIM), lambda i: (i, 0)),
            pl.BlockSpec((_RB, DIM), lambda i: (i, 0)),
            pl.BlockSpec((1, DIM), lambda i: (0, 0)),
            pl.BlockSpec((_RB, DIM), lambda i: (i, 0)),
            pl.BlockSpec((DIM, DIM), lambda i: (0, 0)),
            pl.BlockSpec((DIM, DIM), lambda i: (0, 0)),
        ],
        out_specs=[
            pl.BlockSpec((_RB, DIM), lambda i: (i, 0)),
            pl.BlockSpec((_RB, DIM), lambda i: (i, 0)),
            pl.BlockSpec((_RB, DIM), lambda i: (i, 0)),
        ],
        out_shape=[
            jax.ShapeDtypeStruct((N, DIM), jnp.float32),
            jax.ShapeDtypeStruct((N, DIM), jnp.float32),
            jax.ShapeDtypeStruct((N, DIM), jnp.float32),
        ],
    )(a0, a1, bn.reshape(1, DIM), slf, wn, ws)


def _final_kernel(x_ref, h1_ref, h2_ref, h3_ref, a0_ref, a1_ref, bn_ref,
                  slf_ref, wfc_ref, bfc_ref, out_ref,
                  accx_ref, acc1_ref, acc2_ref, acc3_ref, acc4_ref):
    i = pl.program_id(0)

    @pl.when(i == 0)
    def _():
        accx_ref[...] = jnp.zeros_like(accx_ref)
        acc1_ref[...] = jnp.zeros_like(acc1_ref)
        acc2_ref[...] = jnp.zeros_like(acc2_ref)
        acc3_ref[...] = jnp.zeros_like(acc3_ref)
        acc4_ref[...] = jnp.zeros_like(acc4_ref)

    h4 = jnp.maximum(a0_ref[...] + a1_ref[...] + bn_ref[...] + slf_ref[...],
                     0.0)
    accx_ref[...] += jnp.sum(x_ref[...], axis=0, keepdims=True)
    acc1_ref[...] += jnp.sum(h1_ref[...], axis=0, keepdims=True)
    acc2_ref[...] += jnp.sum(h2_ref[...], axis=0, keepdims=True)
    acc3_ref[...] += jnp.sum(h3_ref[...], axis=0, keepdims=True)
    acc4_ref[...] += jnp.sum(h4, axis=0, keepdims=True)

    @pl.when(i == _G - 1)
    def _():
        inv_n = 1.0 / N
        dot = lambda a, b: jnp.dot(a, b, preferred_element_type=jnp.float32)
        logits = (dot(accx_ref[...] * inv_n, wfc_ref[pl.ds(0, D), :])
                  + dot(acc1_ref[...] * inv_n, wfc_ref[pl.ds(D, DIM), :])
                  + dot(acc2_ref[...] * inv_n, wfc_ref[pl.ds(D + DIM, DIM), :])
                  + dot(acc3_ref[...] * inv_n,
                        wfc_ref[pl.ds(D + 2 * DIM, DIM), :])
                  + dot(acc4_ref[...] * inv_n,
                        wfc_ref[pl.ds(D + 3 * DIM, DIM), :])
                  + bfc_ref[...])
        mx = jnp.max(logits, axis=1, keepdims=True)
        z = logits - mx
        out_ref[...] = z - jnp.log(jnp.sum(jnp.exp(z), axis=1, keepdims=True))


def _final(x, h1, h2, h3, aggsc, bn, slf, wfc, bfc):
    d_cat = D + 4 * DIM
    a0 = aggsc[:N]
    a1 = aggsc[N:]
    return pl.pallas_call(
        _final_kernel,
        grid=(_G,),
        in_specs=[
            pl.BlockSpec((_RB, D), lambda i: (i, 0)),
            pl.BlockSpec((_RB, DIM), lambda i: (i, 0)),
            pl.BlockSpec((_RB, DIM), lambda i: (i, 0)),
            pl.BlockSpec((_RB, DIM), lambda i: (i, 0)),
            pl.BlockSpec((_RB, DIM), lambda i: (i, 0)),
            pl.BlockSpec((_RB, DIM), lambda i: (i, 0)),
            pl.BlockSpec((1, DIM), lambda i: (0, 0)),
            pl.BlockSpec((_RB, DIM), lambda i: (i, 0)),
            pl.BlockSpec((d_cat, C), lambda i: (0, 0)),
            pl.BlockSpec((1, C), lambda i: (0, 0)),
        ],
        out_specs=pl.BlockSpec((1, C), lambda i: (0, 0)),
        out_shape=jax.ShapeDtypeStruct((1, C), jnp.float32),
        scratch_shapes=[
            pltpu.VMEM((1, D), jnp.float32),
            pltpu.VMEM((1, DIM), jnp.float32),
            pltpu.VMEM((1, DIM), jnp.float32),
            pltpu.VMEM((1, DIM), jnp.float32),
            pltpu.VMEM((1, DIM), jnp.float32),
        ],
    )(x, h1, h2, h3, a0, a1, bn.reshape(1, DIM), slf, wfc,
      bfc.reshape(1, C))


def kernel(x, edge_index, Wn0, bn0, Ws0, Wn1, bn1, Ws1, Wn2, bn2, Ws2,
           Wn3, bn3, Ws3, Wfc, bfc):
    zeros = jnp.zeros((N, DIM), jnp.float32)

    m, slf = _mm(x, Wn0, Ws0)
    aggsc = _segsum_sc(m, edge_index, zeros)

    h = [None] * 4
    params = [(Wn1, bn0, Ws1), (Wn2, bn1, Ws2), (Wn3, bn2, Ws3)]
    for l, (wn_next, bn, ws_next) in enumerate(params):
        h[l], m, slf = _combine_mm(aggsc, bn, slf, wn_next, ws_next)
        aggsc = _segsum_sc(m, edge_index, zeros)

    return _final(x, h[0], h[1], h[2], aggsc, bn3, slf, Wfc, bfc)

# --- scband reference (transcript-rebuilt; emitter-appended) ---
"""Pipeline reference for scband-net2-16793322127389 (READ-ONLY COPY).

The authoritative reference and input builder live on the scoring server;
editing this copy changes nothing except your own understanding.
"""

import jax, jax.numpy as jnp
import numpy as np

N = 10000
E = 160000
D = 256
DIM = 32
L = 4
C = 10


def setup_inputs(seed: int = 0) -> dict:
    key = jax.random.key(seed)
    ks = jax.random.split(key, 2 + 3 * L + 2)
    inp = {}
    inp["x"] = jax.random.normal(ks[0], (N, D), dtype=jnp.float32)
    inp["edge_index"] = jax.random.randint(ks[1], (2, E), 0, N, dtype=jnp.int32)
    in_dims = [D] + [DIM] * (L - 1)
    ki = 2
    for l in range(L):
        d_in = in_dims[l]
        inp[f"Wn{l}"] = jax.random.normal(ks[ki], (d_in, DIM), dtype=jnp.float32) * (1.0 / np.sqrt(d_in)); ki += 1
        inp[f"bn{l}"] = jnp.zeros((DIM,), dtype=jnp.float32)
        inp[f"Ws{l}"] = jax.random.normal(ks[ki], (d_in, DIM), dtype=jnp.float32) * (1.0 / np.sqrt(d_in)); ki += 1
    d_cat = D + L * DIM
    inp["Wfc"] = jax.random.normal(ks[ki], (d_cat, C), dtype=jnp.float32) * (1.0 / np.sqrt(d_cat)); ki += 1
    inp["bfc"] = jnp.zeros((C,), dtype=jnp.float32)
    return inp


def reference(x, edge_index, Wn0, bn0, Ws0, Wn1, bn1, Ws1, Wn2, bn2, Ws2, Wn3, bn3, Ws3, Wfc, bfc):
    src = edge_index[0]
    dst = edge_index[1]
    params = [(Wn0, bn0, Ws0), (Wn1, bn1, Ws1), (Wn2, bn2, Ws2), (Wn3, bn3, Ws3)]
    h = x
    xs = [x]
    for (Wn, bn, Ws) in params:
        # GraphConv(norm='none'): multiply by weight first (in>=out), then sum-aggregate src->dst, then bias
        m = h @ Wn
        agg = jax.ops.segment_sum(m[src], dst, num_segments=N)
        neigh = agg + bn
        slf = h @ Ws
        h = jax.nn.relu(neigh + slf)
        xs.append(h)
    hcat = jnp.concatenate(xs, axis=1)
    # dgl.mean_nodes over a single graph -> [1, d_cat]
    hg = jnp.mean(hcat, axis=0, keepdims=True)
    logits = hg @ Wfc + bfc
    return jax.nn.log_softmax(logits, axis=1)

if __name__ == "__main__":
    import jax
    _d = setup_inputs()
    print(jax.jit(kernel)(*tuple(_d.values())))

</pallas_src>

<mosaic_0001>
#map = affine_map<(d0, d1) -> (0, 0)>
module attributes {stable_mosaic.version = 14 : i64} {
  func.func @_segsum_sc(%arg0: i32, %arg1: i32, %arg2: memref<10000x32xf32, #tpu.memory_space<hbm>>, %arg3: memref<2x160000xi32, #tpu.memory_space<hbm>>, %arg4: memref<10000x32xf32, #tpu.memory_space<hbm>>, %arg5: memref<20000x32xf32, #tpu.memory_space<hbm>>, %arg6: memref<2x1000xi32, #tpu.memory_space<vmem>>, %arg7: memref<1000x32xf32, #tpu.memory_space<vmem>>, %arg8: memref<10000x32xf32, #tpu.memory_space<vmem_shared>>, %arg9: memref<!tpu.dma_semaphore, #tpu.memory_space<semaphore_mem>>) attributes {dimension_semantics = [#tpu.dimension_semantics<core_parallel>, #tpu.dimension_semantics<subcore_parallel>], iteration_bounds = array<i64: 2, 16>, scalar_prefetch = 0 : i64, scratch_operands = 4 : i64, tpu.core_type = #tpu.core_type<sc_vector_subcore>, window_params = [{transform_indices = #map}, {transform_indices = #map}, {transform_indices = #map}, {transform_indices = #map}]} {
    %mul3A = arith.constant 2 : i32
    %mul3A_0 = arith.muli %arg1, %mul3A : i32
    %add3A = arith.addi %mul3A_0, %arg0 : i32
    %mul3A_1 = arith.constant 625 : i32
    %mul3A_2 = arith.muli %arg1, %mul3A_1 : i32
    %mul3A_3 = arith.constant 625 : i32
    %mul3A_4 = arith.muli %arg1, %mul3A_3 : i32
    "tpu.region"() ({
      %run_scoped3A = tpu.sem_alloc : memref<!tpu.dma_semaphore, #tpu.memory_space<semaphore_mem>>
      %dma_start3A = arith.constant 0 : i32
      %dma_start3A_18 = tpu.memref_slice %arg8[%mul3A_4, %dma_start3A] : memref<10000x32xf32, #tpu.memory_space<vmem_shared>> -> memref<625x32xf32, #tpu.memory_space<vmem_shared>>
      %dma_start3A_19 = arith.constant 0 : i32
      %dma_start3A_20 = tpu.memref_slice %arg4[%mul3A_2, %dma_start3A_19] : memref<10000x32xf32, #tpu.memory_space<hbm>> -> memref<625x32xf32, #tpu.memory_space<hbm>>
      tpu.enqueue_dma source(%dma_start3A_20 : memref<625x32xf32, #tpu.memory_space<hbm>>) target(%dma_start3A_18 : memref<625x32xf32, #tpu.memory_space<vmem_shared>>) target_semaphore(%run_scoped3A : memref<!tpu.dma_semaphore, #tpu.memory_space<semaphore_mem>>)
      %dma_wait3A = arith.constant 0 : i32
      %dma_wait3A_21 = tpu.memref_slice %arg8[%mul3A_4, %dma_wait3A] : memref<10000x32xf32, #tpu.memory_space<vmem_shared>> -> memref<625x32xf32, #tpu.memory_space<vmem_shared>>
      %dma_wait3A_22 = arith.constant 0 : i32
      %dma_wait3A_23 = tpu.memref_slice %arg4[%mul3A_2, %dma_wait3A_22] : memref<10000x32xf32, #tpu.memory_space<hbm>> -> memref<625x32xf32, #tpu.memory_space<hbm>>
      tpu.wait_dma2 semaphore(%run_scoped3A : memref<!tpu.dma_semaphore, #tpu.memory_space<semaphore_mem>>) src(%dma_wait3A_23 : memref<625x32xf32, #tpu.memory_space<hbm>>) dst(%dma_wait3A_21 : memref<625x32xf32, #tpu.memory_space<vmem_shared>>)
      tpu.yield
    }) : () -> ()
    %barrier3A = arith.constant 0 : index
    tpu.barrier barrier_id(%barrier3A)
    %scan3A = arith.constant 0 : i32
    %scan3A_5 = arith.constant 0 : i32
    %scan3A_6 = arith.constant 5 : i32
    %scan3A_7 = arith.addi %scan3A_5, %scan3A_6 : i32
    %scan3A_8 = arith.constant 1 : i32
    scf.for %scan3A_18 = %scan3A_5 to %scan3A_7 step %scan3A_8  : i32 {
      %mul3A_19 = arith.constant 32 : i32
      %mul3A_20 = arith.muli %scan3A_18, %mul3A_19 : i32
      %add3A_21 = arith.addi %mul3A_20, %add3A : i32
      %mul3A_22 = arith.constant 1000 : i32
      %mul3A_23 = arith.muli %add3A_21, %mul3A_22 : i32
      %multiple_of3A = tpu.assume_multiple %mul3A_23, 1000 : i32
      "tpu.region"() ({
        %run_scoped3A_36 = tpu.sem_alloc : memref<!tpu.dma_semaphore, #tpu.memory_space<semaphore_mem>>
        %dma_start3A_37 = arith.constant 0 : i32
        %dma_start3A_38 = tpu.memref_slice %arg3[%dma_start3A_37, %multiple_of3A] : memref<2x160000xi32, #tpu.memory_space<hbm>> -> memref<2x1000xi32, #tpu.memory_space<hbm>>
        %dma_start3A_39 = arith.constant 0 : i32
        %dma_start3A_40 = tpu.memref_slice %arg3[%dma_start3A_39, %multiple_of3A] : memref<2x160000xi32, #tpu.memory_space<hbm>> -> memref<2x1000xi32, #tpu.memory_space<hbm>>
        tpu.enqueue_dma source(%dma_start3A_40 : memref<2x1000xi32, #tpu.memory_space<hbm>>) target(%arg6 : memref<2x1000xi32, #tpu.memory_space<vmem>>) target_semaphore(%run_scoped3A_36 : memref<!tpu.dma_semaphore, #tpu.memory_space<semaphore_mem>>)
        %dma_wait3A_41 = arith.constant 0 : i32
        %dma_wait3A_42 = tpu.memref_slice %arg3[%dma_wait3A_41, %multiple_of3A] : memref<2x160000xi32, #tpu.memory_space<hbm>> -> memref<2x1000xi32, #tpu.memory_space<hbm>>
        %dma_wait3A_43 = arith.constant 0 : i32
        %dma_wait3A_44 = tpu.memref_slice %arg3[%dma_wait3A_43, %multiple_of3A] : memref<2x160000xi32, #tpu.memory_space<hbm>> -> memref<2x1000xi32, #tpu.memory_space<hbm>>
        tpu.wait_dma2 semaphore(%run_scoped3A_36 : memref<!tpu.dma_semaphore, #tpu.memory_space<semaphore_mem>>) src(%dma_wait3A_44 : memref<2x1000xi32, #tpu.memory_space<hbm>>) dst(%arg6 : memref<2x1000xi32, #tpu.memory_space<vmem>>)
        tpu.yield
      }) : () -> ()
      %dma_start3A = arith.constant 0 : i32
      %dma_start3A_24 = arith.constant 0 : i32
      %dma_start3A_25 = tpu.memref_slice %arg6[%dma_start3A, %dma_start3A_24] : memref<2x1000xi32, #tpu.memory_space<vmem>> -> memref<1x1000xi32, #tpu.memory_space<vmem>>
      %dma_start3A_26 = tpu.memref_squeeze %dma_start3A_25 : memref<1x1000xi32, #tpu.memory_space<vmem>> -> memref<1000xi32, #tpu.memory_space<vmem>>
      %dma_start3A_27 = arith.constant 0 : i32
      %dma_start3A_28 = arith.constant 0 : i32
      %dma_start3A_29 = tpu.memref_slice %arg2[%dma_start3A_27, %dma_start3A_28] : memref<10000x32xf32, #tpu.memory_space<hbm>> -> memref<10000x32xf32, #tpu.memory_space<hbm>>
      tpu.enqueue_indirect_dma source(%dma_start3A_29 : memref<10000x32xf32, #tpu.memory_space<hbm>>) target(%arg7 : memref<1000x32xf32, #tpu.memory_space<vmem>>) offsets(%dma_start3A_26 : memref<1000xi32, #tpu.memory_space<vmem>>) semaphore(%arg9 : memref<!tpu.dma_semaphore, #tpu.memory_space<semaphore_mem>>)
      %dma_wait3A = arith.constant 0 : i32
      %dma_wait3A_30 = arith.constant 0 : i32
      %dma_wait3A_31 = tpu.memref_slice %arg6[%dma_wait3A, %dma_wait3A_30] : memref<2x1000xi32, #tpu.memory_space<vmem>> -> memref<1x1000xi32, #tpu.memory_space<vmem>>
      %dma_wait3A_32 = tpu.memref_squeeze %dma_wait3A_31 : memref<1x1000xi32, #tpu.memory_space<vmem>> -> memref<1000xi32, #tpu.memory_space<vmem>>
      %dma_wait3A_33 = arith.constant 0 : i32
      %dma_wait3A_34 = arith.constant 0 : i32
      %dma_wait3A_35 = tpu.memref_slice %arg2[%dma_wait3A_33, %dma_wait3A_34] : memref<10000x32xf32, #tpu.memory_space<hbm>> -> memref<10000x32xf32, #tpu.memory_space<hbm>>
      tpu.wait_indirect_dma semaphore(%arg9 : memref<!tpu.dma_semaphore, #tpu.memory_space<semaphore_mem>>) src(%dma_wait3A_35 : memref<10000x32xf32, #tpu.memory_space<hbm>>) dst(%arg7 : memref<1000x32xf32, #tpu.memory_space<vmem>>)
      %run_scoped3A = arith.constant 1 : i32
      "tpu.region"() ({
        %run_scoped3A_36 = tpu.sem_alloc : memref<!tpu.dma_semaphore, #tpu.memory_space<semaphore_mem>>
        %dma_start3A_37 = arith.constant 0 : i32
        %dma_start3A_38 = tpu.memref_slice %arg6[%run_scoped3A, %dma_start3A_37] : memref<2x1000xi32, #tpu.memory_space<vmem>> -> memref<1x1000xi32, #tpu.memory_space<vmem>>
        %dma_start3A_39 = tpu.memref_squeeze %dma_start3A_38 : memref<1x1000xi32, #tpu.memory_space<vmem>> -> memref<1000xi32, #tpu.memory_space<vmem>>
        %dma_start3A_40 = arith.constant 0 : i32
        %dma_start3A_41 = arith.constant 0 : i32
        %dma_start3A_42 = tpu.memref_slice %arg8[%dma_start3A_40, %dma_start3A_41] : memref<10000x32xf32, #tpu.memory_space<vmem_shared>> -> memref<10000x32xf32, #tpu.memory_space<vmem_shared>>
        tpu.enqueue_indirect_dma source(%arg7 : memref<1000x32xf32, #tpu.memory_space<vmem>>) target(%dma_start3A_42 : memref<10000x32xf32, #tpu.memory_space<vmem_shared>>) offsets(%dma_start3A_39 : memref<1000xi32, #tpu.memory_space<vmem>>) semaphore(%run_scoped3A_36 : memref<!tpu.dma_semaphore, #tpu.memory_space<semaphore_mem>>) {add = true}
        %dma_wait3A_43 = arith.constant 0 : i32
        %dma_wait3A_44 = tpu.memref_slice %arg6[%run_scoped3A, %dma_wait3A_43] : memref<2x1000xi32, #tpu.memory_space<vmem>> -> memref<1x1000xi32, #tpu.memory_space<vmem>>
        %dma_wait3A_45 = tpu.memref_squeeze %dma_wait3A_44 : memref<1x1000xi32, #tpu.memory_space<vmem>> -> memref<1000xi32, #tpu.memory_space<vmem>>
        %dma_wait3A_46 = arith.constant 0 : i32
        %dma_wait3A_47 = arith.constant 0 : i32
        %dma_wait3A_48 = tpu.memref_slice %arg8[%dma_wait3A_46, %dma_wait3A_47] : memref<10000x32xf32, #tpu.memory_space<vmem_shared>> -> memref<10000x32xf32, #tpu.memory_space<vmem_shared>>
        tpu.wait_indirect_dma semaphore(%run_scoped3A_36 : memref<!tpu.dma_semaphore, #tpu.memory_space<semaphore_mem>>) src(%arg7 : memref<1000x32xf32, #tpu.memory_space<vmem>>) dst(%dma_wait3A_48 : memref<10000x32xf32, #tpu.memory_space<vmem_shared>>)
        tpu.yield
      }) : () -> ()
    }
    %scan3A_9 = arith.constant 5 : i32
    %barrier3A_10 = arith.constant 0 : index
    tpu.barrier barrier_id(%barrier3A_10)
    %mul3A_11 = arith.constant 625 : i32
    %mul3A_12 = arith.muli %arg1, %mul3A_11 : i32
    %mul3A_13 = arith.constant 10000 : i32
    %mul3A_14 = arith.muli %arg0, %mul3A_13 : i32
    %mul3A_15 = arith.constant 625 : i32
    %mul3A_16 = arith.muli %arg1, %mul3A_15 : i32
    %add3A_17 = arith.addi %mul3A_14, %mul3A_16 : i32
    "tpu.region"() ({
      %run_scoped3A = tpu.sem_alloc : memref<!tpu.dma_semaphore, #tpu.memory_space<semaphore_mem>>
      %dma_start3A = arith.constant 0 : i32
      %dma_start3A_18 = tpu.memref_slice %arg5[%add3A_17, %dma_start3A] : memref<20000x32xf32, #tpu.memory_space<hbm>> -> memref<625x32xf32, #tpu.memory_space<hbm>>
      %dma_start3A_19 = arith.constant 0 : i32
      %dma_start3A_20 = tpu.memref_slice %arg8[%mul3A_12, %dma_start3A_19] : memref<10000x32xf32, #tpu.memory_space<vmem_shared>> -> memref<625x32xf32, #tpu.memory_space<vmem_shared>>
      tpu.enqueue_dma source(%dma_start3A_20 : memref<625x32xf32, #tpu.memory_space<vmem_shared>>) target(%dma_start3A_18 : memref<625x32xf32, #tpu.memory_space<hbm>>) target_semaphore(%run_scoped3A : memref<!tpu.dma_semaphore, #tpu.memory_space<semaphore_mem>>)
      %dma_wait3A = arith.constant 0 : i32
      %dma_wait3A_21 = tpu.memref_slice %arg5[%add3A_17, %dma_wait3A] : memref<20000x32xf32, #tpu.memory_space<hbm>> -> memref<625x32xf32, #tpu.memory_space<hbm>>
      %dma_wait3A_22 = arith.constant 0 : i32
      %dma_wait3A_23 = tpu.memref_slice %arg8[%mul3A_12, %dma_wait3A_22] : memref<10000x32xf32, #tpu.memory_space<vmem_shared>> -> memref<625x32xf32, #tpu.memory_space<vmem_shared>>
      tpu.wait_dma2 semaphore(%run_scoped3A : memref<!tpu.dma_semaphore, #tpu.memory_space<semaphore_mem>>) src(%dma_wait3A_23 : memref<625x32xf32, #tpu.memory_space<vmem_shared>>) dst(%dma_wait3A_21 : memref<625x32xf32, #tpu.memory_space<hbm>>)
      tpu.yield
    }) : () -> ()
    return
  }
}

#map = affine_map<(d0, d1) -> (0, 0)>
module attributes {stable_mosaic.version = 14 : i64} {
  func.func @_segsum_sc(%arg0: i32, %arg1: i32, %arg2: memref<10000x32xf32, #tpu.memory_space<hbm>>, %arg3: memref<2x160000xi32, #tpu.memory_space<hbm>>, %arg4: memref<10000x32xf32, #tpu.memory_space<hbm>>, %arg5: memref<20000x32xf32, #tpu.memory_space<hbm>>, %arg6: memref<2x1000xi32, #tpu.memory_space<vmem>>, %arg7: memref<1000x32xf32, #tpu.memory_space<vmem>>, %arg8: memref<10000x32xf32, #tpu.memory_space<vmem_shared>>, %arg9: memref<!tpu.dma_semaphore, #tpu.memory_space<semaphore_mem>>) attributes {dimension_semantics = [#tpu.dimension_semantics<core_parallel>, #tpu.dimension_semantics<subcore_parallel>], iteration_bounds = array<i64: 2, 16>, scalar_prefetch = 0 : i64, scratch_operands = 4 : i64, tpu.core_type = #tpu.core_type<sc_vector_subcore>, window_params = [{transform_indices = #map}, {transform_indices = #map}, {transform_indices = #map}, {transform_indices = #map}]} {
    %mul3A = arith.constant 2 : i32
    %mul3A_0 = arith.muli %arg1, %mul3A : i32
    %add3A = arith.addi %mul3A_0, %arg0 : i32
    %mul3A_1 = arith.constant 625 : i32
    %mul3A_2 = arith.muli %arg1, %mul3A_1 : i32
    %mul3A_3 = arith.constant 625 : i32
    %mul3A_4 = arith.muli %arg1, %mul3A_3 : i32
    "tpu.region"() ({
      %run_scoped3A = tpu.sem_alloc : memref<!tpu.dma_semaphore, #tpu.memory_space<semaphore_mem>>
      %dma_start3A = arith.constant 0 : i32
      %dma_start3A_18 = tpu.memref_slice %arg8[%mul3A_4, %dma_start3A] : memref<10000x32xf32, #tpu.memory_space<vmem_shared>> -> memref<625x32xf32, #tpu.memory_space<vmem_shared>>
      %dma_start3A_19 = arith.constant 0 : i32
      %dma_start3A_20 = tpu.memref_slice %arg4[%mul3A_2, %dma_start3A_19] : memref<10000x32xf32, #tpu.memory_space<hbm>> -> memref<625x32xf32, #tpu.memory_space<hbm>>
      tpu.enqueue_dma source(%dma_start3A_20 : memref<625x32xf32, #tpu.memory_space<hbm>>) target(%dma_start3A_18 : memref<625x32xf32, #tpu.memory_space<vmem_shared>>) target_semaphore(%run_scoped3A : memref<!tpu.dma_semaphore, #tpu.memory_space<semaphore_mem>>)
      %dma_wait3A = arith.constant 0 : i32
      %dma_wait3A_21 = tpu.memref_slice %arg8[%mul3A_4, %dma_wait3A] : memref<10000x32xf32, #tpu.memory_space<vmem_shared>> -> memref<625x32xf32, #tpu.memory_space<vmem_shared>>
      %dma_wait3A_22 = arith.constant 0 : i32
      %dma_wait3A_23 = tpu.memref_slice %arg4[%mul3A_2, %dma_wait3A_22] : memref<10000x32xf32, #tpu.memory_space<hbm>> -> memref<625x32xf32, #tpu.memory_space<hbm>>
      tpu.wait_dma2 semaphore(%run_scoped3A : memref<!tpu.dma_semaphore, #tpu.memory_space<semaphore_mem>>) src(%dma_wait3A_23 : memref<625x32xf32, #tpu.memory_space<hbm>>) dst(%dma_wait3A_21 : memref<625x32xf32, #tpu.memory_space<vmem_shared>>)
      tpu.yield
    }) : () -> ()
    %barrier3A = arith.constant 0 : index
    tpu.barrier barrier_id(%barrier3A)
    %scan3A = arith.constant 0 : i32
    %scan3A_5 = arith.constant 0 : i32
    %scan3A_6 = arith.constant 5 : i32
    %scan3A_7 = arith.addi %scan3A_5, %scan3A_6 : i32
    %scan3A_8 = arith.constant 1 : i32
    scf.for %scan3A_18 = %scan3A_5 to %scan3A_7 step %scan3A_8  : i32 {
      %mul3A_19 = arith.constant 32 : i32
      %mul3A_20 = arith.muli %scan3A_18, %mul3A_19 : i32
      %add3A_21 = arith.addi %mul3A_20, %add3A : i32
      %mul3A_22 = arith.constant 1000 : i32
      %mul3A_23 = arith.muli %add3A_21, %mul3A_22 : i32
      %multiple_of3A = tpu.assume_multiple %mul3A_23, 1000 : i32
      "tpu.region"() ({
        %run_scoped3A_36 = tpu.sem_alloc : memref<!tpu.dma_semaphore, #tpu.memory_space<semaphore_mem>>
        %dma_start3A_37 = arith.constant 0 : i32
        %dma_start3A_38 = tpu.memref_slice %arg3[%dma_start3A_37, %multiple_of3A] : memref<2x160000xi32, #tpu.memory_space<hbm>> -> memref<2x1000xi32, #tpu.memory_space<hbm>>
        %dma_start3A_39 = arith.constant 0 : i32
        %dma_start3A_40 = tpu.memref_slice %arg3[%dma_start3A_39, %multiple_of3A] : memref<2x160000xi32, #tpu.memory_space<hbm>> -> memref<2x1000xi32, #tpu.memory_space<hbm>>
        tpu.enqueue_dma source(%dma_start3A_40 : memref<2x1000xi32, #tpu.memory_space<hbm>>) target(%arg6 : memref<2x1000xi32, #tpu.memory_space<vmem>>) target_semaphore(%run_scoped3A_36 : memref<!tpu.dma_semaphore, #tpu.memory_space<semaphore_mem>>)
        %dma_wait3A_41 = arith.constant 0 : i32
        %dma_wait3A_42 = tpu.memref_slice %arg3[%dma_wait3A_41, %multiple_of3A] : memref<2x160000xi32, #tpu.memory_space<hbm>> -> memref<2x1000xi32, #tpu.memory_space<hbm>>
        %dma_wait3A_43 = arith.constant 0 : i32
        %dma_wait3A_44 = tpu.memref_slice %arg3[%dma_wait3A_43, %multiple_of3A] : memref<2x160000xi32, #tpu.memory_space<hbm>> -> memref<2x1000xi32, #tpu.memory_space<hbm>>
        tpu.wait_dma2 semaphore(%run_scoped3A_36 : memref<!tpu.dma_semaphore, #tpu.memory_space<semaphore_mem>>) src(%dma_wait3A_44 : memref<2x1000xi32, #tpu.memory_space<hbm>>) dst(%arg6 : memref<2x1000xi32, #tpu.memory_space<vmem>>)
        tpu.yield
      }) : () -> ()
      %dma_start3A = arith.constant 0 : i32
      %dma_start3A_24 = arith.constant 0 : i32
      %dma_start3A_25 = tpu.memref_slice %arg6[%dma_start3A, %dma_start3A_24] : memref<2x1000xi32, #tpu.memory_space<vmem>> -> memref<1x1000xi32, #tpu.memory_space<vmem>>
      %dma_start3A_26 = tpu.memref_squeeze %dma_start3A_25 : memref<1x1000xi32, #tpu.memory_space<vmem>> -> memref<1000xi32, #tpu.memory_space<vmem>>
      %dma_start3A_27 = arith.constant 0 : i32
      %dma_start3A_28 = arith.constant 0 : i32
      %dma_start3A_29 = tpu.memref_slice %arg2[%dma_start3A_27, %dma_start3A_28] : memref<10000x32xf32, #tpu.memory_space<hbm>> -> memref<10000x32xf32, #tpu.memory_space<hbm>>
      tpu.enqueue_indirect_dma source(%dma_start3A_29 : memref<10000x32xf32, #tpu.memory_space<hbm>>) target(%arg7 : memref<1000x32xf32, #tpu.memory_space<vmem>>) offsets(%dma_start3A_26 : memref<1000xi32, #tpu.memory_space<vmem>>) semaphore(%arg9 : memref<!tpu.dma_semaphore, #tpu.memory_space<semaphore_mem>>)
      %dma_wait3A = arith.constant 0 : i32
      %dma_wait3A_30 = arith.constant 0 : i32
      %dma_wait3A_31 = tpu.memref_slice %arg6[%dma_wait3A, %dma_wait3A_30] : memref<2x1000xi32, #tpu.memory_space<vmem>> -> memref<1x1000xi32, #tpu.memory_space<vmem>>
      %dma_wait3A_32 = tpu.memref_squeeze %dma_wait3A_31 : memref<1x1000xi32, #tpu.memory_space<vmem>> -> memref<1000xi32, #tpu.memory_space<vmem>>
      %dma_wait3A_33 = arith.constant 0 : i32
      %dma_wait3A_34 = arith.constant 0 : i32
      %dma_wait3A_35 = tpu.memref_slice %arg2[%dma_wait3A_33, %dma_wait3A_34] : memref<10000x32xf32, #tpu.memory_space<hbm>> -> memref<10000x32xf32, #tpu.memory_space<hbm>>
      tpu.wait_indirect_dma semaphore(%arg9 : memref<!tpu.dma_semaphore, #tpu.memory_space<semaphore_mem>>) src(%dma_wait3A_35 : memref<10000x32xf32, #tpu.memory_space<hbm>>) dst(%arg7 : memref<1000x32xf32, #tpu.memory_space<vmem>>)
      %run_scoped3A = arith.constant 1 : i32
      "tpu.region"() ({
        %run_scoped3A_36 = tpu.sem_alloc : memref<!tpu.dma_semaphore, #tpu.memory_space<semaphore_mem>>
        %dma_start3A_37 = arith.constant 0 : i32
        %dma_start3A_38 = tpu.memref_slice %arg6[%run_scoped3A, %dma_start3A_37] : memref<2x1000xi32, #tpu.memory_space<vmem>> -> memref<1x1000xi32, #tpu.memory_space<vmem>>
        %dma_start3A_39 = tpu.memref_squeeze %dma_start3A_38 : memref<1x1000xi32, #tpu.memory_space<vmem>> -> memref<1000xi32, #tpu.memory_space<vmem>>
        %dma_start3A_40 = arith.constant 0 : i32
        %dma_start3A_41 = arith.constant 0 : i32
        %dma_start3A_42 = tpu.memref_slice %arg8[%dma_start3A_40, %dma_start3A_41] : memref<10000x32xf32, #tpu.memory_space<vmem_shared>> -> memref<10000x32xf32, #tpu.memory_space<vmem_shared>>
        tpu.enqueue_indirect_dma source(%arg7 : memref<1000x32xf32, #tpu.memory_space<vmem>>) target(%dma_start3A_42 : memref<10000x32xf32, #tpu.memory_space<vmem_shared>>) offsets(%dma_start3A_39 : memref<1000xi32, #tpu.memory_space<vmem>>) semaphore(%run_scoped3A_36 : memref<!tpu.dma_semaphore, #tpu.memory_space<semaphore_mem>>) {add = true}
        %dma_wait3A_43 = arith.constant 0 : i32
        %dma_wait3A_44 = tpu.memref_slice %arg6[%run_scoped3A, %dma_wait3A_43] : memref<2x1000xi32, #tpu.memory_space<vmem>> -> memref<1x1000xi32, #tpu.memory_space<vmem>>
        %dma_wait3A_45 = tpu.memref_squeeze %dma_wait3A_44 : memref<1x1000xi32, #tpu.memory_space<vmem>> -> memref<1000xi32, #tpu.memory_space<vmem>>
        %dma_wait3A_46 = arith.constant 0 : i32
        %dma_wait3A_47 = arith.constant 0 : i32
        %dma_wait3A_48 = tpu.memref_slice %arg8[%dma_wait3A_46, %dma_wait3A_47] : memref<10000x32xf32, #tpu.memory_space<vmem_shared>> -> memref<10000x32xf32, #tpu.memory_space<vmem_shared>>
        tpu.wait_indirect_dma semaphore(%run_scoped3A_36 : memref<!tpu.dma_semaphore, #tpu.memory_space<semaphore_mem>>) src(%arg7 : memref<1000x32xf32, #tpu.memory_space<vmem>>) dst(%dma_wait3A_48 : memref<10000x32xf32, #tpu.memory_space<vmem_shared>>)
        tpu.yield
      }) : () -> ()
    }
    %scan3A_9 = arith.constant 5 : i32
    %barrier3A_10 = arith.constant 0 : index
    tpu.barrier barrier_id(%barrier3A_10)
    %mul3A_11 = arith.constant 625 : i32
    %mul3A_12 = arith.muli %arg1, %mul3A_11 : i32
    %mul3A_13 = arith.constant 10000 : i32
    %mul3A_14 = arith.muli %arg0, %mul3A_13 : i32
    %mul3A_15 = arith.constant 625 : i32
    %mul3A_16 = arith.muli %arg1, %mul3A_15 : i32
    %add3A_17 = arith.addi %mul3A_14, %mul3A_16 : i32
    "tpu.region"() ({
      %run_scoped3A = tpu.sem_alloc : memref<!tpu.dma_semaphore, #tpu.memory_space<semaphore_mem>>
      %dma_start3A = arith.constant 0 : i32
      %dma_start3A_18 = tpu.memref_slice %arg5[%add3A_17, %dma_start3A] : memref<20000x32xf32, #tpu.memory_space<hbm>> -> memref<625x32xf32, #tpu.memory_space<hbm>>
      %dma_start3A_19 = arith.constant 0 : i32
      %dma_start3A_20 = tpu.memref_slice %arg8[%mul3A_12, %dma_start3A_19] : memref<10000x32xf32, #tpu.memory_space<vmem_shared>> -> memref<625x32xf32, #tpu.memory_space<vmem_shared>>
      tpu.enqueue_dma source(%dma_start3A_20 : memref<625x32xf32, #tpu.memory_space<vmem_shared>>) target(%dma_start3A_18 : memref<625x32xf32, #tpu.memory_space<hbm>>) target_semaphore(%run_scoped3A : memref<!tpu.dma_semaphore, #tpu.memory_space<semaphore_mem>>)
      %dma_wait3A = arith.constant 0 : i32
      %dma_wait3A_21 = tpu.memref_slice %arg5[%add3A_17, %dma_wait3A] : memref<20000x32xf32, #tpu.memory_space<hbm>> -> memref<625x32xf32, #tpu.memory_space<hbm>>
      %dma_wait3A_22 = arith.constant 0 : i32
      %dma_wait3A_23 = tpu.memref_slice %arg8[%mul3A_12, %dma_wait3A_22] : memref<10000x32xf32, #tpu.memory_space<vmem_shared>> -> memref<625x32xf32, #tpu.memory_space<vmem_shared>>
      tpu.wait_dma2 semaphore(%run_scoped3A : memref<!tpu.dma_semaphore, #tpu.memory_space<semaphore_mem>>) src(%dma_wait3A_23 : memref<625x32xf32, #tpu.memory_space<vmem_shared>>) dst(%dma_wait3A_21 : memref<625x32xf32, #tpu.memory_space<hbm>>)
      tpu.yield
    }) : () -> ()
    return
  }
}

#map = affine_map<(d0, d1) -> (0, 0)>
module attributes {stable_mosaic.version = 14 : i64} {
  func.func @_segsum_sc(%arg0: i32, %arg1: i32, %arg2: memref<10000x32xf32, #tpu.memory_space<hbm>>, %arg3: memref<2x160000xi32, #tpu.memory_space<hbm>>, %arg4: memref<10000x32xf32, #tpu.memory_space<hbm>>, %arg5: memref<20000x32xf32, #tpu.memory_space<hbm>>, %arg6: memref<2x1000xi32, #tpu.memory_space<vmem>>, %arg7: memref<1000x32xf32, #tpu.memory_space<vmem>>, %arg8: memref<10000x32xf32, #tpu.memory_space<vmem_shared>>, %arg9: memref<!tpu.dma_semaphore, #tpu.memory_space<semaphore_mem>>) attributes {dimension_semantics = [#tpu.dimension_semantics<core_parallel>, #tpu.dimension_semantics<subcore_parallel>], iteration_bounds = array<i64: 2, 16>, scalar_prefetch = 0 : i64, scratch_operands = 4 : i64, tpu.core_type = #tpu.core_type<sc_vector_subcore>, window_params = [{transform_indices = #map}, {transform_indices = #map}, {transform_indices = #map}, {transform_indices = #map}]} {
    %mul3A = arith.constant 2 : i32
    %mul3A_0 = arith.muli %arg1, %mul3A : i32
    %add3A = arith.addi %mul3A_0, %arg0 : i32
    %mul3A_1 = arith.constant 625 : i32
    %mul3A_2 = arith.muli %arg1, %mul3A_1 : i32
    %mul3A_3 = arith.constant 625 : i32
    %mul3A_4 = arith.muli %arg1, %mul3A_3 : i32
    "tpu.region"() ({
      %run_scoped3A = tpu.sem_alloc : memref<!tpu.dma_semaphore, #tpu.memory_space<semaphore_mem>>
      %dma_start3A = arith.constant 0 : i32
      %dma_start3A_18 = tpu.memref_slice %arg8[%mul3A_4, %dma_start3A] : memref<10000x32xf32, #tpu.memory_space<vmem_shared>> -> memref<625x32xf32, #tpu.memory_space<vmem_shared>>
      %dma_start3A_19 = arith.constant 0 : i32
      %dma_start3A_20 = tpu.memref_slice %arg4[%mul3A_2, %dma_start3A_19] : memref<10000x32xf32, #tpu.memory_space<hbm>> -> memref<625x32xf32, #tpu.memory_space<hbm>>
      tpu.enqueue_dma source(%dma_start3A_20 : memref<625x32xf32, #tpu.memory_space<hbm>>) target(%dma_start3A_18 : memref<625x32xf32, #tpu.memory_space<vmem_shared>>) target_semaphore(%run_scoped3A : memref<!tpu.dma_semaphore, #tpu.memory_space<semaphore_mem>>)
      %dma_wait3A = arith.constant 0 : i32
      %dma_wait3A_21 = tpu.memref_slice %arg8[%mul3A_4, %dma_wait3A] : memref<10000x32xf32, #tpu.memory_space<vmem_shared>> -> memref<625x32xf32, #tpu.memory_space<vmem_shared>>
      %dma_wait3A_22 = arith.constant 0 : i32
      %dma_wait3A_23 = tpu.memref_slice %arg4[%mul3A_2, %dma_wait3A_22] : memref<10000x32xf32, #tpu.memory_space<hbm>> -> memref<625x32xf32, #tpu.memory_space<hbm>>
      tpu.wait_dma2 semaphore(%run_scoped3A : memref<!tpu.dma_semaphore, #tpu.memory_space<semaphore_mem>>) src(%dma_wait3A_23 : memref<625x32xf32, #tpu.memory_space<hbm>>) dst(%dma_wait3A_21 : memref<625x32xf32, #tpu.memory_space<vmem_shared>>)
      tpu.yield
    }) : () -> ()
    %barrier3A = arith.constant 0 : index
    tpu.barrier barrier_id(%barrier3A)
    %scan3A = arith.constant 0 : i32
    %scan3A_5 = arith.constant 0 : i32
    %scan3A_6 = arith.constant 5 : i32
    %scan3A_7 = arith.addi %scan3A_5, %scan3A_6 : i32
    %scan3A_8 = arith.constant 1 : i32
    scf.for %scan3A_18 = %scan3A_5 to %scan3A_7 step %scan3A_8  : i32 {
      %mul3A_19 = arith.constant 32 : i32
      %mul3A_20 = arith.muli %scan3A_18, %mul3A_19 : i32
      %add3A_21 = arith.addi %mul3A_20, %add3A : i32
      %mul3A_22 = arith.constant 1000 : i32
      %mul3A_23 = arith.muli %add3A_21, %mul3A_22 : i32
      %multiple_of3A = tpu.assume_multiple %mul3A_23, 1000 : i32
      "tpu.region"() ({
        %run_scoped3A_36 = tpu.sem_alloc : memref<!tpu.dma_semaphore, #tpu.memory_space<semaphore_mem>>
        %dma_start3A_37 = arith.constant 0 : i32
        %dma_start3A_38 = tpu.memref_slice %arg3[%dma_start3A_37, %multiple_of3A] : memref<2x160000xi32, #tpu.memory_space<hbm>> -> memref<2x1000xi32, #tpu.memory_space<hbm>>
        %dma_start3A_39 = arith.constant 0 : i32
        %dma_start3A_40 = tpu.memref_slice %arg3[%dma_start3A_39, %multiple_of3A] : memref<2x160000xi32, #tpu.memory_space<hbm>> -> memref<2x1000xi32, #tpu.memory_space<hbm>>
        tpu.enqueue_dma source(%dma_start3A_40 : memref<2x1000xi32, #tpu.memory_space<hbm>>) target(%arg6 : memref<2x1000xi32, #tpu.memory_space<vmem>>) target_semaphore(%run_scoped3A_36 : memref<!tpu.dma_semaphore, #tpu.memory_space<semaphore_mem>>)
        %dma_wait3A_41 = arith.constant 0 : i32
        %dma_wait3A_42 = tpu.memref_slice %arg3[%dma_wait3A_41, %multiple_of3A] : memref<2x160000xi32, #tpu.memory_space<hbm>> -> memref<2x1000xi32, #tpu.memory_space<hbm>>
        %dma_wait3A_43 = arith.constant 0 : i32
        %dma_wait3A_44 = tpu.memref_slice %arg3[%dma_wait3A_43, %multiple_of3A] : memref<2x160000xi32, #tpu.memory_space<hbm>> -> memref<2x1000xi32, #tpu.memory_space<hbm>>
        tpu.wait_dma2 semaphore(%run_scoped3A_36 : memref<!tpu.dma_semaphore, #tpu.memory_space<semaphore_mem>>) src(%dma_wait3A_44 : memref<2x1000xi32, #tpu.memory_space<hbm>>) dst(%arg6 : memref<2x1000xi32, #tpu.memory_space<vmem>>)
        tpu.yield
      }) : () -> ()
      %dma_start3A = arith.constant 0 : i32
      %dma_start3A_24 = arith.constant 0 : i32
      %dma_start3A_25 = tpu.memref_slice %arg6[%dma_start3A, %dma_start3A_24] : memref<2x1000xi32, #tpu.memory_space<vmem>> -> memref<1x1000xi32, #tpu.memory_space<vmem>>
      %dma_start3A_26 = tpu.memref_squeeze %dma_start3A_25 : memref<1x1000xi32, #tpu.memory_space<vmem>> -> memref<1000xi32, #tpu.memory_space<vmem>>
      %dma_start3A_27 = arith.constant 0 : i32
      %dma_start3A_28 = arith.constant 0 : i32
      %dma_start3A_29 = tpu.memref_slice %arg2[%dma_start3A_27, %dma_start3A_28] : memref<10000x32xf32, #tpu.memory_space<hbm>> -> memref<10000x32xf32, #tpu.memory_space<hbm>>
      tpu.enqueue_indirect_dma source(%dma_start3A_29 : memref<10000x32xf32, #tpu.memory_space<hbm>>) target(%arg7 : memref<1000x32xf32, #tpu.memory_space<vmem>>) offsets(%dma_start3A_26 : memref<1000xi32, #tpu.memory_space<vmem>>) semaphore(%arg9 : memref<!tpu.dma_semaphore, #tpu.memory_space<semaphore_mem>>)
      %dma_wait3A = arith.constant 0 : i32
      %dma_wait3A_30 = arith.constant 0 : i32
      %dma_wait3A_31 = tpu.memref_slice %arg6[%dma_wait3A, %dma_wait3A_30] : memref<2x1000xi32, #tpu.memory_space<vmem>> -> memref<1x1000xi32, #tpu.memory_space<vmem>>
      %dma_wait3A_32 = tpu.memref_squeeze %dma_wait3A_31 : memref<1x1000xi32, #tpu.memory_space<vmem>> -> memref<1000xi32, #tpu.memory_space<vmem>>
      %dma_wait3A_33 = arith.constant 0 : i32
      %dma_wait3A_34 = arith.constant 0 : i32
      %dma_wait3A_35 = tpu.memref_slice %arg2[%dma_wait3A_33, %dma_wait3A_34] : memref<10000x32xf32, #tpu.memory_space<hbm>> -> memref<10000x32xf32, #tpu.memory_space<hbm>>
      tpu.wait_indirect_dma semaphore(%arg9 : memref<!tpu.dma_semaphore, #tpu.memory_space<semaphore_mem>>) src(%dma_wait3A_35 : memref<10000x32xf32, #tpu.memory_space<hbm>>) dst(%arg7 : memref<1000x32xf32, #tpu.memory_space<vmem>>)
      %run_scoped3A = arith.constant 1 : i32
      "tpu.region"() ({
        %run_scoped3A_36 = tpu.sem_alloc : memref<!tpu.dma_semaphore, #tpu.memory_space<semaphore_mem>>
        %dma_start3A_37 = arith.constant 0 : i32
        %dma_start3A_38 = tpu.memref_slice %arg6[%run_scoped3A, %dma_start3A_37] : memref<2x1000xi32, #tpu.memory_space<vmem>> -> memref<1x1000xi32, #tpu.memory_space<vmem>>
        %dma_start3A_39 = tpu.memref_squeeze %dma_start3A_38 : memref<1x1000xi32, #tpu.memory_space<vmem>> -> memref<1000xi32, #tpu.memory_space<vmem>>
        %dma_start3A_40 = arith.constant 0 : i32
        %dma_start3A_41 = arith.constant 0 : i32
        %dma_start3A_42 = tpu.memref_slice %arg8[%dma_start3A_40, %dma_start3A_41] : memref<10000x32xf32, #tpu.memory_space<vmem_shared>> -> memref<10000x32xf32, #tpu.memory_space<vmem_shared>>
        tpu.enqueue_indirect_dma source(%arg7 : memref<1000x32xf32, #tpu.memory_space<vmem>>) target(%dma_start3A_42 : memref<10000x32xf32, #tpu.memory_space<vmem_shared>>) offsets(%dma_start3A_39 : memref<1000xi32, #tpu.memory_space<vmem>>) semaphore(%run_scoped3A_36 : memref<!tpu.dma_semaphore, #tpu.memory_space<semaphore_mem>>) {add = true}
        %dma_wait3A_43 = arith.constant 0 : i32
        %dma_wait3A_44 = tpu.memref_slice %arg6[%run_scoped3A, %dma_wait3A_43] : memref<2x1000xi32, #tpu.memory_space<vmem>> -> memref<1x1000xi32, #tpu.memory_space<vmem>>
        %dma_wait3A_45 = tpu.memref_squeeze %dma_wait3A_44 : memref<1x1000xi32, #tpu.memory_space<vmem>> -> memref<1000xi32, #tpu.memory_space<vmem>>
        %dma_wait3A_46 = arith.constant 0 : i32
        %dma_wait3A_47 = arith.constant 0 : i32
        %dma_wait3A_48 = tpu.memref_slice %arg8[%dma_wait3A_46, %dma_wait3A_47] : memref<10000x32xf32, #tpu.memory_space<vmem_shared>> -> memref<10000x32xf32, #tpu.memory_space<vmem_shared>>
        tpu.wait_indirect_dma semaphore(%run_scoped3A_36 : memref<!tpu.dma_semaphore, #tpu.memory_space<semaphore_mem>>) src(%arg7 : memref<1000x32xf32, #tpu.memory_space<vmem>>) dst(%dma_wait3A_48 : memref<10000x32xf32, #tpu.memory_space<vmem_shared>>)
        tpu.yield
      }) : () -> ()
    }
    %scan3A_9 = arith.constant 5 : i32
    %barrier3A_10 = arith.constant 0 : index
    tpu.barrier barrier_id(%barrier3A_10)
    %mul3A_11 = arith.constant 625 : i32
    %mul3A_12 = arith.muli %arg1, %mul3A_11 : i32
    %mul3A_13 = arith.constant 10000 : i32
    %mul3A_14 = arith.muli %arg0, %mul3A_13 : i32
    %mul3A_15 = arith.constant 625 : i32
    %mul3A_16 = arith.muli %arg1, %mul3A_15 : i32
    %add3A_17 = arith.addi %mul3A_14, %mul3A_16 : i32
    "tpu.region"() ({
      %run_scoped3A = tpu.sem_alloc : memref<!tpu.dma_semaphore, #tpu.memory_space<semaphore_mem>>
      %dma_start3A = arith.constant 0 : i32
      %dma_start3A_18 = tpu.memref_slice %arg5[%add3A_17, %dma_start3A] : memref<20000x32xf32, #tpu.memory_space<hbm>> -> memref<625x32xf32, #tpu.memory_space<hbm>>
      %dma_start3A_19 = arith.constant 0 : i32
      %dma_start3A_20 = tpu.memref_slice %arg8[%mul3A_12, %dma_start3A_19] : memref<10000x32xf32, #tpu.memory_space<vmem_shared>> -> memref<625x32xf32, #tpu.memory_space<vmem_shared>>
      tpu.enqueue_dma source(%dma_start3A_20 : memref<625x32xf32, #tpu.memory_space<vmem_shared>>) target(%dma_start3A_18 : memref<625x32xf32, #tpu.memory_space<hbm>>) target_semaphore(%run_scoped3A : memref<!tpu.dma_semaphore, #tpu.memory_space<semaphore_mem>>)
      %dma_wait3A = arith.constant 0 : i32
      %dma_wait3A_21 = tpu.memref_slice %arg5[%add3A_17, %dma_wait3A] : memref<20000x32xf32, #tpu.memory_space<hbm>> -> memref<625x32xf32, #tpu.memory_space<hbm>>
      %dma_wait3A_22 = arith.constant 0 : i32
      %dma_wait3A_23 = tpu.memref_slice %arg8[%mul3A_12, %dma_wait3A_22] : memref<10000x32xf32, #tpu.memory_space<vmem_shared>> -> memref<625x32xf32, #tpu.memory_space<vmem_shared>>
      tpu.wait_dma2 semaphore(%run_scoped3A : memref<!tpu.dma_semaphore, #tpu.memory_space<semaphore_mem>>) src(%dma_wait3A_23 : memref<625x32xf32, #tpu.memory_space<vmem_shared>>) dst(%dma_wait3A_21 : memref<625x32xf32, #tpu.memory_space<hbm>>)
      tpu.yield
    }) : () -> ()
    return
  }
}

#map = affine_map<(d0, d1) -> (0, 0)>
module attributes {stable_mosaic.version = 14 : i64} {
  func.func @_segsum_sc(%arg0: i32, %arg1: i32, %arg2: memref<10000x32xf32, #tpu.memory_space<hbm>>, %arg3: memref<2x160000xi32, #tpu.memory_space<hbm>>, %arg4: memref<10000x32xf32, #tpu.memory_space<hbm>>, %arg5: memref<20000x32xf32, #tpu.memory_space<hbm>>, %arg6: memref<2x1000xi32, #tpu.memory_space<vmem>>, %arg7: memref<1000x32xf32, #tpu.memory_space<vmem>>, %arg8: memref<10000x32xf32, #tpu.memory_space<vmem_shared>>, %arg9: memref<!tpu.dma_semaphore, #tpu.memory_space<semaphore_mem>>) attributes {dimension_semantics = [#tpu.dimension_semantics<core_parallel>, #tpu.dimension_semantics<subcore_parallel>], iteration_bounds = array<i64: 2, 16>, scalar_prefetch = 0 : i64, scratch_operands = 4 : i64, tpu.core_type = #tpu.core_type<sc_vector_subcore>, window_params = [{transform_indices = #map}, {transform_indices = #map}, {transform_indices = #map}, {transform_indices = #map}]} {
    %mul3A = arith.constant 2 : i32
    %mul3A_0 = arith.muli %arg1, %mul3A : i32
    %add3A = arith.addi %mul3A_0, %arg0 : i32
    %mul3A_1 = arith.constant 625 : i32
    %mul3A_2 = arith.muli %arg1, %mul3A_1 : i32
    %mul3A_3 = arith.constant 625 : i32
    %mul3A_4 = arith.muli %arg1, %mul3A_3 : i32
    "tpu.region"() ({
      %run_scoped3A = tpu.sem_alloc : memref<!tpu.dma_semaphore, #tpu.memory_space<semaphore_mem>>
      %dma_start3A = arith.constant 0 : i32
      %dma_start3A_18 = tpu.memref_slice %arg8[%mul3A_4, %dma_start3A] : memref<10000x32xf32, #tpu.memory_space<vmem_shared>> -> memref<625x32xf32, #tpu.memory_space<vmem_shared>>
      %dma_start3A_19 = arith.constant 0 : i32
      %dma_start3A_20 = tpu.memref_slice %arg4[%mul3A_2, %dma_start3A_19] : memref<10000x32xf32, #tpu.memory_space<hbm>> -> memref<625x32xf32, #tpu.memory_space<hbm>>
      tpu.enqueue_dma source(%dma_start3A_20 : memref<625x32xf32, #tpu.memory_space<hbm>>) target(%dma_start3A_18 : memref<625x32xf32, #tpu.memory_space<vmem_shared>>) target_semaphore(%run_scoped3A : memref<!tpu.dma_semaphore, #tpu.memory_space<semaphore_mem>>)
      %dma_wait3A = arith.constant 0 : i32
      %dma_wait3A_21 = tpu.memref_slice %arg8[%mul3A_4, %dma_wait3A] : memref<10000x32xf32, #tpu.memory_space<vmem_shared>> -> memref<625x32xf32, #tpu.memory_space<vmem_shared>>
      %dma_wait3A_22 = arith.constant 0 : i32
      %dma_wait3A_23 = tpu.memref_slice %arg4[%mul3A_2, %dma_wait3A_22] : memref<10000x32xf32, #tpu.memory_space<hbm>> -> memref<625x32xf32, #tpu.memory_space<hbm>>
      tpu.wait_dma2 semaphore(%run_scoped3A : memref<!tpu.dma_semaphore, #tpu.memory_space<semaphore_mem>>) src(%dma_wait3A_23 : memref<625x32xf32, #tpu.memory_space<hbm>>) dst(%dma_wait3A_21 : memref<625x32xf32, #tpu.memory_space<vmem_shared>>)
      tpu.yield
    }) : () -> ()
    %barrier3A = arith.constant 0 : index
    tpu.barrier barrier_id(%barrier3A)
    %scan3A = arith.constant 0 : i32
    %scan3A_5 = arith.constant 0 : i32
    %scan3A_6 = arith.constant 5 : i32
    %scan3A_7 = arith.addi %scan3A_5, %scan3A_6 : i32
    %scan3A_8 = arith.constant 1 : i32
    scf.for %scan3A_18 = %scan3A_5 to %scan3A_7 step %scan3A_8  : i32 {
      %mul3A_19 = arith.constant 32 : i32
      %mul3A_20 = arith.muli %scan3A_18, %mul3A_19 : i32
      %add3A_21 = arith.addi %mul3A_20, %add3A : i32
      %mul3A_22 = arith.constant 1000 : i32
      %mul3A_23 = arith.muli %add3A_21, %mul3A_22 : i32
      %multiple_of3A = tpu.assume_multiple %mul3A_23, 1000 : i32
      "tpu.region"() ({
        %run_scoped3A_36 = tpu.sem_alloc : memref<!tpu.dma_semaphore, #tpu.memory_space<semaphore_mem>>
        %dma_start3A_37 = arith.constant 0 : i32
        %dma_start3A_38 = tpu.memref_slice %arg3[%dma_start3A_37, %multiple_of3A] : memref<2x160000xi32, #tpu.memory_space<hbm>> -> memref<2x1000xi32, #tpu.memory_space<hbm>>
        %dma_start3A_39 = arith.constant 0 : i32
        %dma_start3A_40 = tpu.memref_slice %arg3[%dma_start3A_39, %multiple_of3A] : memref<2x160000xi32, #tpu.memory_space<hbm>> -> memref<2x1000xi32, #tpu.memory_space<hbm>>
        tpu.enqueue_dma source(%dma_start3A_40 : memref<2x1000xi32, #tpu.memory_space<hbm>>) target(%arg6 : memref<2x1000xi32, #tpu.memory_space<vmem>>) target_semaphore(%run_scoped3A_36 : memref<!tpu.dma_semaphore, #tpu.memory_space<semaphore_mem>>)
        %dma_wait3A_41 = arith.constant 0 : i32
        %dma_wait3A_42 = tpu.memref_slice %arg3[%dma_wait3A_41, %multiple_of3A] : memref<2x160000xi32, #tpu.memory_space<hbm>> -> memref<2x1000xi32, #tpu.memory_space<hbm>>
        %dma_wait3A_43 = arith.constant 0 : i32
        %dma_wait3A_44 = tpu.memref_slice %arg3[%dma_wait3A_43, %multiple_of3A] : memref<2x160000xi32, #tpu.memory_space<hbm>> -> memref<2x1000xi32, #tpu.memory_space<hbm>>
        tpu.wait_dma2 semaphore(%run_scoped3A_36 : memref<!tpu.dma_semaphore, #tpu.memory_space<semaphore_mem>>) src(%dma_wait3A_44 : memref<2x1000xi32, #tpu.memory_space<hbm>>) dst(%arg6 : memref<2x1000xi32, #tpu.memory_space<vmem>>)
        tpu.yield
      }) : () -> ()
      %dma_start3A = arith.constant 0 : i32
      %dma_start3A_24 = arith.constant 0 : i32
      %dma_start3A_25 = tpu.memref_slice %arg6[%dma_start3A, %dma_start3A_24] : memref<2x1000xi32, #tpu.memory_space<vmem>> -> memref<1x1000xi32, #tpu.memory_space<vmem>>
      %dma_start3A_26 = tpu.memref_squeeze %dma_start3A_25 : memref<1x1000xi32, #tpu.memory_space<vmem>> -> memref<1000xi32, #tpu.memory_space<vmem>>
      %dma_start3A_27 = arith.constant 0 : i32
      %dma_start3A_28 = arith.constant 0 : i32
      %dma_start3A_29 = tpu.memref_slice %arg2[%dma_start3A_27, %dma_start3A_28] : memref<10000x32xf32, #tpu.memory_space<hbm>> -> memref<10000x32xf32, #tpu.memory_space<hbm>>
      tpu.enqueue_indirect_dma source(%dma_start3A_29 : memref<10000x32xf32, #tpu.memory_space<hbm>>) target(%arg7 : memref<1000x32xf32, #tpu.memory_space<vmem>>) offsets(%dma_start3A_26 : memref<1000xi32, #tpu.memory_space<vmem>>) semaphore(%arg9 : memref<!tpu.dma_semaphore, #tpu.memory_space<semaphore_mem>>)
      %dma_wait3A = arith.constant 0 : i32
      %dma_wait3A_30 = arith.constant 0 : i32
      %dma_wait3A_31 = tpu.memref_slice %arg6[%dma_wait3A, %dma_wait3A_30] : memref<2x1000xi32, #tpu.memory_space<vmem>> -> memref<1x1000xi32, #tpu.memory_space<vmem>>
      %dma_wait3A_32 = tpu.memref_squeeze %dma_wait3A_31 : memref<1x1000xi32, #tpu.memory_space<vmem>> -> memref<1000xi32, #tpu.memory_space<vmem>>
      %dma_wait3A_33 = arith.constant 0 : i32
      %dma_wait3A_34 = arith.constant 0 : i32
      %dma_wait3A_35 = tpu.memref_slice %arg2[%dma_wait3A_33, %dma_wait3A_34] : memref<10000x32xf32, #tpu.memory_space<hbm>> -> memref<10000x32xf32, #tpu.memory_space<hbm>>
      tpu.wait_indirect_dma semaphore(%arg9 : memref<!tpu.dma_semaphore, #tpu.memory_space<semaphore_mem>>) src(%dma_wait3A_35 : memref<10000x32xf32, #tpu.memory_space<hbm>>) dst(%arg7 : memref<1000x32xf32, #tpu.memory_space<vmem>>)
      %run_scoped3A = arith.constant 1 : i32
      "tpu.region"() ({
        %run_scoped3A_36 = tpu.sem_alloc : memref<!tpu.dma_semaphore, #tpu.memory_space<semaphore_mem>>
        %dma_start3A_37 = arith.constant 0 : i32
        %dma_start3A_38 = tpu.memref_slice %arg6[%run_scoped3A, %dma_start3A_37] : memref<2x1000xi32, #tpu.memory_space<vmem>> -> memref<1x1000xi32, #tpu.memory_space<vmem>>
        %dma_start3A_39 = tpu.memref_squeeze %dma_start3A_38 : memref<1x1000xi32, #tpu.memory_space<vmem>> -> memref<1000xi32, #tpu.memory_space<vmem>>
        %dma_start3A_40 = arith.constant 0 : i32
        %dma_start3A_41 = arith.constant 0 : i32
        %dma_start3A_42 = tpu.memref_slice %arg8[%dma_start3A_40, %dma_start3A_41] : memref<10000x32xf32, #tpu.memory_space<vmem_shared>> -> memref<10000x32xf32, #tpu.memory_space<vmem_shared>>
        tpu.enqueue_indirect_dma source(%arg7 : memref<1000x32xf32, #tpu.memory_space<vmem>>) target(%dma_start3A_42 : memref<10000x32xf32, #tpu.memory_space<vmem_shared>>) offsets(%dma_start3A_39 : memref<1000xi32, #tpu.memory_space<vmem>>) semaphore(%run_scoped3A_36 : memref<!tpu.dma_semaphore, #tpu.memory_space<semaphore_mem>>) {add = true}
        %dma_wait3A_43 = arith.constant 0 : i32
        %dma_wait3A_44 = tpu.memref_slice %arg6[%run_scoped3A, %dma_wait3A_43] : memref<2x1000xi32, #tpu.memory_space<vmem>> -> memref<1x1000xi32, #tpu.memory_space<vmem>>
        %dma_wait3A_45 = tpu.memref_squeeze %dma_wait3A_44 : memref<1x1000xi32, #tpu.memory_space<vmem>> -> memref<1000xi32, #tpu.memory_space<vmem>>
        %dma_wait3A_46 = arith.constant 0 : i32
        %dma_wait3A_47 = arith.constant 0 : i32
        %dma_wait3A_48 = tpu.memref_slice %arg8[%dma_wait3A_46, %dma_wait3A_47] : memref<10000x32xf32, #tpu.memory_space<vmem_shared>> -> memref<10000x32xf32, #tpu.memory_space<vmem_shared>>
        tpu.wait_indirect_dma semaphore(%run_scoped3A_36 : memref<!tpu.dma_semaphore, #tpu.memory_space<semaphore_mem>>) src(%arg7 : memref<1000x32xf32, #tpu.memory_space<vmem>>) dst(%dma_wait3A_48 : memref<10000x32xf32, #tpu.memory_space<vmem_shared>>)
        tpu.yield
      }) : () -> ()
    }
    %scan3A_9 = arith.constant 5 : i32
    %barrier3A_10 = arith.constant 0 : index
    tpu.barrier barrier_id(%barrier3A_10)
    %mul3A_11 = arith.constant 625 : i32
    %mul3A_12 = arith.muli %arg1, %mul3A_11 : i32
    %mul3A_13 = arith.constant 10000 : i32
    %mul3A_14 = arith.muli %arg0, %mul3A_13 : i32
    %mul3A_15 = arith.constant 625 : i32
    %mul3A_16 = arith.muli %arg1, %mul3A_15 : i32
    %add3A_17 = arith.addi %mul3A_14, %mul3A_16 : i32
    "tpu.region"() ({
      %run_scoped3A = tpu.sem_alloc : memref<!tpu.dma_semaphore, #tpu.memory_space<semaphore_mem>>
      %dma_start3A = arith.constant 0 : i32
      %dma_start3A_18 = tpu.memref_slice %arg5[%add3A_17, %dma_start3A] : memref<20000x32xf32, #tpu.memory_space<hbm>> -> memref<625x32xf32, #tpu.memory_space<hbm>>
      %dma_start3A_19 = arith.constant 0 : i32
      %dma_start3A_20 = tpu.memref_slice %arg8[%mul3A_12, %dma_start3A_19] : memref<10000x32xf32, #tpu.memory_space<vmem_shared>> -> memref<625x32xf32, #tpu.memory_space<vmem_shared>>
      tpu.enqueue_dma source(%dma_start3A_20 : memref<625x32xf32, #tpu.memory_space<vmem_shared>>) target(%dma_start3A_18 : memref<625x32xf32, #tpu.memory_space<hbm>>) target_semaphore(%run_scoped3A : memref<!tpu.dma_semaphore, #tpu.memory_space<semaphore_mem>>)
      %dma_wait3A = arith.constant 0 : i32
      %dma_wait3A_21 = tpu.memref_slice %arg5[%add3A_17, %dma_wait3A] : memref<20000x32xf32, #tpu.memory_space<hbm>> -> memref<625x32xf32, #tpu.memory_space<hbm>>
      %dma_wait3A_22 = arith.constant 0 : i32
      %dma_wait3A_23 = tpu.memref_slice %arg8[%mul3A_12, %dma_wait3A_22] : memref<10000x32xf32, #tpu.memory_space<vmem_shared>> -> memref<625x32xf32, #tpu.memory_space<vmem_shared>>
      tpu.wait_dma2 semaphore(%run_scoped3A : memref<!tpu.dma_semaphore, #tpu.memory_space<semaphore_mem>>) src(%dma_wait3A_23 : memref<625x32xf32, #tpu.memory_space<vmem_shared>>) dst(%dma_wait3A_21 : memref<625x32xf32, #tpu.memory_space<hbm>>)
      tpu.yield
    }) : () -> ()
    return
  }
}

module attributes {stable_mosaic.version = 14 : i64} {
  func.func @_mm_kernel(%arg0: i32, %arg1: memref<2000x256xf32, #tpu.memory_space<vmem>>, %arg2: memref<256x32xf32, #tpu.memory_space<vmem>>, %arg3: memref<256x32xf32, #tpu.memory_space<vmem>>, %arg4: memref<2000x32xf32, #tpu.memory_space<vmem>>, %arg5: memref<2000x32xf32, #tpu.memory_space<vmem>>) attributes {dimension_semantics = [#tpu.dimension_semantics<arbitrary>], iteration_bounds = array<i64: 5>, scalar_prefetch = 0 : i64, scratch_operands = 0 : i64, tpu.core_type = #tpu.core_type<tc>, window_params = [{transform_indices = @transform_0, window_bounds = array<i64: 2000, 256>}, {pipeline_mode = #tpu.pipeline_mode<synchronous>, transform_indices = @transform_1, window_bounds = array<i64: 256, 32>}, {pipeline_mode = #tpu.pipeline_mode<synchronous>, transform_indices = @transform_2, window_bounds = array<i64: 256, 32>}, {transform_indices = @transform_3, window_bounds = array<i64: 2000, 32>}, {transform_indices = @transform_4, window_bounds = array<i64: 2000, 32>}]} {
    %get3A = arith.constant 0 : index
    %get3A_0 = arith.constant 0 : index
    %get3A_1 = vector.load %arg1[%get3A, %get3A_0] : memref<2000x256xf32, #tpu.memory_space<vmem>>, vector<2000x256xf32>
    %get3A_2 = arith.constant 0 : index
    %get3A_3 = arith.constant 0 : index
    %get3A_4 = vector.load %arg2[%get3A_2, %get3A_3] : memref<256x32xf32, #tpu.memory_space<vmem>>, vector<256x32xf32>
    %dot_general3A = arith.constant dense<0.000000e+00> : vector<2000x32xf32>
    %dot_general3A_5 = tpu.matmul %get3A_1, %get3A_4, %dot_general3A {dimension_numbers = #tpu.dot_dimension_numbers<[1], [0], [0], [1], [0, 0, 1, 1], [], []>, transpose_lhs_hint = false} : vector<2000x256xf32>, vector<256x32xf32>, vector<2000x32xf32> -> vector<2000x32xf32>
    %swap3A = arith.constant 0 : index
    %swap3A_6 = arith.constant 0 : index
    %swap3A_7 = vector.load %arg4[%swap3A, %swap3A_6] : memref<2000x32xf32, #tpu.memory_space<vmem>>, vector<2000x32xf32>
    tpu.vector_store %arg4[%swap3A, %swap3A_6], %dot_general3A_5 {strides = array<i32>} : memref<2000x32xf32, #tpu.memory_space<vmem>>, vector<2000x32xf32>,
    %get3A_8 = arith.constant 0 : index
    %get3A_9 = arith.constant 0 : index
    %get3A_10 = vector.load %arg3[%get3A_8, %get3A_9] : memref<256x32xf32, #tpu.memory_space<vmem>>, vector<256x32xf32>
    %dot_general3A_11 = arith.constant dense<0.000000e+00> : vector<2000x32xf32>
    %dot_general3A_12 = tpu.matmul %get3A_1, %get3A_10, %dot_general3A_11 {dimension_numbers = #tpu.dot_dimension_numbers<[1], [0], [0], [1], [0, 0, 1, 1], [], []>, transpose_lhs_hint = false} : vector<2000x256xf32>, vector<256x32xf32>, vector<2000x32xf32> -> vector<2000x32xf32>
    %swap3A_13 = arith.constant 0 : index
    %swap3A_14 = arith.constant 0 : index
    %swap3A_15 = vector.load %arg5[%swap3A_13, %swap3A_14] : memref<2000x32xf32, #tpu.memory_space<vmem>>, vector<2000x32xf32>
    tpu.vector_store %arg5[%swap3A_13, %swap3A_14], %dot_general3A_12 {strides = array<i32>} : memref<2000x32xf32, #tpu.memory_space<vmem>>, vector<2000x32xf32>,
    return
  }
  func.func @transform_0(%arg0: i32) -> (i32, i32) {
    %c0_i32 = arith.constant 0 : i32
    %c0_i32_0 = arith.constant 0 : i32
    return %arg0, %c0_i32 : i32, i32
  }
  func.func @transform_1(%arg0: i32) -> (i32, i32) {
    %c0_i32 = arith.constant 0 : i32
    %c0_i32_0 = arith.constant 0 : i32
    %c0_i32_1 = arith.constant 0 : i32
    return %c0_i32, %c0_i32_0 : i32, i32
  }
  func.func @transform_2(%arg0: i32) -> (i32, i32) {
    %c0_i32 = arith.constant 0 : i32
    %c0_i32_0 = arith.constant 0 : i32
    %c0_i32_1 = arith.constant 0 : i32
    return %c0_i32, %c0_i32_0 : i32, i32
  }
  func.func @transform_3(%arg0: i32) -> (i32, i32) {
    %c0_i32 = arith.constant 0 : i32
    %c0_i32_0 = arith.constant 0 : i32
    return %arg0, %c0_i32 : i32, i32
  }
  func.func @transform_4(%arg0: i32) -> (i32, i32) {
    %c0_i32 = arith.constant 0 : i32
    %c0_i32_0 = arith.constant 0 : i32
    return %arg0, %c0_i32 : i32, i32
  }
}

module attributes {stable_mosaic.version = 14 : i64} {
  func.func @_combine_mm_kernel(%arg0: i32, %arg1: memref<2000x32xf32, #tpu.memory_space<vmem>>, %arg2: memref<2000x32xf32, #tpu.memory_space<vmem>>, %arg3: memref<1x32xf32, #tpu.memory_space<vmem>>, %arg4: memref<2000x32xf32, #tpu.memory_space<vmem>>, %arg5: memref<32x32xf32, #tpu.memory_space<vmem>>, %arg6: memref<32x32xf32, #tpu.memory_space<vmem>>, %arg7: memref<2000x32xf32, #tpu.memory_space<vmem>>, %arg8: memref<2000x32xf32, #tpu.memory_space<vmem>>, %arg9: memref<2000x32xf32, #tpu.memory_space<vmem>>) attributes {dimension_semantics = [#tpu.dimension_semantics<arbitrary>], iteration_bounds = array<i64: 5>, scalar_prefetch = 0 : i64, scratch_operands = 0 : i64, tpu.core_type = #tpu.core_type<tc>, window_params = [{transform_indices = @transform_0, window_bounds = array<i64: 2000, 32>}, {transform_indices = @transform_1, window_bounds = array<i64: 2000, 32>}, {pipeline_mode = #tpu.pipeline_mode<synchronous>, transform_indices = @transform_2, window_bounds = array<i64: 1, 32>}, {transform_indices = @transform_3, window_bounds = array<i64: 2000, 32>}, {pipeline_mode = #tpu.pipeline_mode<synchronous>, transform_indices = @transform_4, window_bounds = array<i64: 32, 32>}, {pipeline_mode = #tpu.pipeline_mode<synchronous>, transform_indices = @transform_5, window_bounds = array<i64: 32, 32>}, {transform_indices = @transform_6, window_bounds = array<i64: 2000, 32>}, {transform_indices = @transform_7, window_bounds = array<i64: 2000, 32>}, {transform_indices = @transform_8, window_bounds = array<i64: 2000, 32>}]} {
    %get3A = arith.constant 0 : index
    %get3A_0 = arith.constant 0 : index
    %get3A_1 = vector.load %arg1[%get3A, %get3A_0] : memref<2000x32xf32, #tpu.memory_space<vmem>>, vector<2000x32xf32>
    %get3A_2 = arith.constant 0 : index
    %get3A_3 = arith.constant 0 : index
    %get3A_4 = vector.load %arg2[%get3A_2, %get3A_3] : memref<2000x32xf32, #tpu.memory_space<vmem>>, vector<2000x32xf32>
    %add3A = arith.addf %get3A_1, %get3A_4 : vector<2000x32xf32>
    %get3A_5 = arith.constant 0 : index
    %get3A_6 = arith.constant 0 : index
    %get3A_7 = vector.load %arg3[%get3A_5, %get3A_6] : memref<1x32xf32, #tpu.memory_space<vmem>>, vector<1x32xf32>
    %add3A_8 = vector.broadcast %get3A_7 : vector<1x32xf32> to vector<2000x32xf32>
    %add3A_9 = arith.addf %add3A, %add3A_8 : vector<2000x32xf32>
    %get3A_10 = arith.constant 0 : index
    %get3A_11 = arith.constant 0 : index
    %get3A_12 = vector.load %arg4[%get3A_10, %get3A_11] : memref<2000x32xf32, #tpu.memory_space<vmem>>, vector<2000x32xf32>
    %add3A_13 = arith.addf %add3A_9, %get3A_12 : vector<2000x32xf32>
    %max3A = arith.constant 0.000000e+00 : f32
    %max3A_14 = vector.broadcast %max3A : f32 to vector<2000x32xf32>
    %max3A_15 = arith.maximumf %add3A_13, %max3A_14 : vector<2000x32xf32>
    %swap3A = arith.constant 0 : index
    %swap3A_16 = arith.constant 0 : index
    %swap3A_17 = vector.load %arg7[%swap3A, %swap3A_16] : memref<2000x32xf32, #tpu.memory_space<vmem>>, vector<2000x32xf32>
    tpu.vector_store %arg7[%swap3A, %swap3A_16], %max3A_15 {strides = array<i32>} : memref<2000x32xf32, #tpu.memory_space<vmem>>, vector<2000x32xf32>,
    %get3A_18 = arith.constant 0 : index
    %get3A_19 = arith.constant 0 : index
    %get3A_20 = vector.load %arg5[%get3A_18, %get3A_19] : memref<32x32xf32, #tpu.memory_space<vmem>>, vector<32x32xf32>
    %dot_general3A = arith.constant dense<0.000000e+00> : vector<2000x32xf32>
    %dot_general3A_21 = tpu.matmul %max3A_15, %get3A_20, %dot_general3A {dimension_numbers = #tpu.dot_dimension_numbers<[1], [0], [0], [1], [0, 0, 1, 1], [], []>, transpose_lhs_hint = false} : vector<2000x32xf32>, vector<32x32xf32>, vector<2000x32xf32> -> vector<2000x32xf32>
    %swap3A_22 = arith.constant 0 : index
    %swap3A_23 = arith.constant 0 : index
    %swap3A_24 = vector.load %arg8[%swap3A_22, %swap3A_23] : memref<2000x32xf32, #tpu.memory_space<vmem>>, vector<2000x32xf32>
    tpu.vector_store %arg8[%swap3A_22, %swap3A_23], %dot_general3A_21 {strides = array<i32>} : memref<2000x32xf32, #tpu.memory_space<vmem>>, vector<2000x32xf32>,
    %get3A_25 = arith.constant 0 : index
    %get3A_26 = arith.constant 0 : index
    %get3A_27 = vector.load %arg6[%get3A_25, %get3A_26] : memref<32x32xf32, #tpu.memory_space<vmem>>, vector<32x32xf32>
    %dot_general3A_28 = arith.constant dense<0.000000e+00> : vector<2000x32xf32>
    %dot_general3A_29 = tpu.matmul %max3A_15, %get3A_27, %dot_general3A_28 {dimension_numbers = #tpu.dot_dimension_numbers<[1], [0], [0], [1], [0, 0, 1, 1], [], []>, transpose_lhs_hint = false} : vector<2000x32xf32>, vector<32x32xf32>, vector<2000x32xf32> -> vector<2000x32xf32>
    %swap3A_30 = arith.constant 0 : index
    %swap3A_31 = arith.constant 0 : index
    %swap3A_32 = vector.load %arg9[%swap3A_30, %swap3A_31] : memref<2000x32xf32, #tpu.memory_space<vmem>>, vector<2000x32xf32>
    tpu.vector_store %arg9[%swap3A_30, %swap3A_31], %dot_general3A_29 {strides = array<i32>} : memref<2000x32xf32, #tpu.memory_space<vmem>>, vector<2000x32xf32>,
    return
  }
  func.func @transform_0(%arg0: i32) -> (i32, i32) {
    %c0_i32 = arith.constant 0 : i32
    %c0_i32_0 = arith.constant 0 : i32
    return %arg0, %c0_i32 : i32, i32
  }
  func.func @transform_1(%arg0: i32) -> (i32, i32) {
    %c0_i32 = arith.constant 0 : i32
    %c0_i32_0 = arith.constant 0 : i32
    return %arg0, %c0_i32 : i32, i32
  }
  func.func @transform_2(%arg0: i32) -> (i32, i32) {
    %c0_i32 = arith.constant 0 : i32
    %c0_i32_0 = arith.constant 0 : i32
    %c0_i32_1 = arith.constant 0 : i32
    return %c0_i32, %c0_i32_0 : i32, i32
  }
  func.func @transform_3(%arg0: i32) -> (i32, i32) {
    %c0_i32 = arith.constant 0 : i32
    %c0_i32_0 = arith.constant 0 : i32
    return %arg0, %c0_i32 : i32, i32
  }
  func.func @transform_4(%arg0: i32) -> (i32, i32) {
    %c0_i32 = arith.constant 0 : i32
    %c0_i32_0 = arith.constant 0 : i32
    %c0_i32_1 = arith.constant 0 : i32
    return %c0_i32, %c0_i32_0 : i32, i32
  }
  func.func @transform_5(%arg0: i32) -> (i32, i32) {
    %c0_i32 = arith.constant 0 : i32
    %c0_i32_0 = arith.constant 0 : i32
    %c0_i32_1 = arith.constant 0 : i32
    return %c0_i32, %c0_i32_0 : i32, i32
  }
  func.func @transform_6(%arg0: i32) -> (i32, i32) {
    %c0_i32 = arith.constant 0 : i32
    %c0_i32_0 = arith.constant 0 : i32
    return %arg0, %c0_i32 : i32, i32
  }
  func.func @transform_7(%arg0: i32) -> (i32, i32) {
    %c0_i32 = arith.constant 0 : i32
    %c0_i32_0 = arith.constant 0 : i32
    return %arg0, %c0_i32 : i32, i32
  }
  func.func @transform_8(%arg0: i32) -> (i32, i32) {
    %c0_i32 = arith.constant 0 : i32
    %c0_i32_0 = arith.constant 0 : i32
    return %arg0, %c0_i32 : i32, i32
  }
}

module attributes {stable_mosaic.version = 14 : i64} {
  func.func @_final_kernel(%arg0: i32, %arg1: memref<2000x256xf32, #tpu.memory_space<vmem>>, %arg2: memref<2000x32xf32, #tpu.memory_space<vmem>>, %arg3: memref<2000x32xf32, #tpu.memory_space<vmem>>, %arg4: memref<2000x32xf32, #tpu.memory_space<vmem>>, %arg5: memref<2000x32xf32, #tpu.memory_space<vmem>>, %arg6: memref<2000x32xf32, #tpu.memory_space<vmem>>, %arg7: memref<1x32xf32, #tpu.memory_space<vmem>>, %arg8: memref<2000x32xf32, #tpu.memory_space<vmem>>, %arg9: memref<384x10xf32, #tpu.memory_space<vmem>>, %arg10: memref<1x10xf32, #tpu.memory_space<vmem>>, %arg11: memref<1x10xf32, #tpu.memory_space<vmem>>, %arg12: memref<1x256xf32, #tpu.memory_space<vmem>>, %arg13: memref<1x32xf32, #tpu.memory_space<vmem>>, %arg14: memref<1x32xf32, #tpu.memory_space<vmem>>, %arg15: memref<1x32xf32, #tpu.memory_space<vmem>>, %arg16: memref<1x32xf32, #tpu.memory_space<vmem>>) attributes {dimension_semantics = [#tpu.dimension_semantics<arbitrary>], iteration_bounds = array<i64: 5>, scalar_prefetch = 0 : i64, scratch_operands = 5 : i64, tpu.core_type = #tpu.core_type<tc>, window_params = [{transform_indices = @transform_0, window_bounds = array<i64: 2000, 256>}, {transform_indices = @transform_1, window_bounds = array<i64: 2000, 32>}, {transform_indices = @transform_2, window_bounds = array<i64: 2000, 32>}, {transform_indices = @transform_3, window_bounds = array<i64: 2000, 32>}, {transform_indices = @transform_4, window_bounds = array<i64: 2000, 32>}, {transform_indices = @transform_5, window_bounds = array<i64: 2000, 32>}, {pipeline_mode = #tpu.pipeline_mode<synchronous>, transform_indices = @transform_6, window_bounds = array<i64: 1, 32>}, {transform_indices = @transform_7, window_bounds = array<i64: 2000, 32>}, {pipeline_mode = #tpu.pipeline_mode<synchronous>, transform_indices = @transform_8, window_bounds = array<i64: 384, 10>}, {pipeline_mode = #tpu.pipeline_mode<synchronous>, transform_indices = @transform_9, window_bounds = array<i64: 1, 10>}, {pipeline_mode = #tpu.pipeline_mode<synchronous>, transform_indices = @transform_10, window_bounds = array<i64: 1, 10>}]} {
    %eq3A = arith.constant 0 : i32
    %eq3A_0 = arith.cmpi eq, %arg0, %eq3A : i32
    %convert_element_type3A = arith.extui %eq3A_0 : i1 to i32
    %cond3A = arith.constant 0 : i32
    %cond3A_1 = arith.cmpi ne, %convert_element_type3A, %cond3A : i32
    scf.if %cond3A_1 {
      %broadcast_in_dim3A_82 = arith.constant 0.000000e+00 : f32
      %broadcast_in_dim3A_83 = vector.broadcast %broadcast_in_dim3A_82 : f32 to vector<1x256xf32>
      %swap3A_84 = arith.constant 0 : index
      %swap3A_85 = arith.constant 0 : index
      %swap3A_86 = vector.load %arg12[%swap3A_84, %swap3A_85] : memref<1x256xf32, #tpu.memory_space<vmem>>, vector<1x256xf32>
      tpu.vector_store %arg12[%swap3A_84, %swap3A_85], %broadcast_in_dim3A_83 {strides = array<i32>} : memref<1x256xf32, #tpu.memory_space<vmem>>, vector<1x256xf32>,
      %broadcast_in_dim3A_87 = arith.constant 0.000000e+00 : f32
      %broadcast_in_dim3A_88 = vector.broadcast %broadcast_in_dim3A_87 : f32 to vector<1x32xf32>
      %swap3A_89 = arith.constant 0 : index
      %swap3A_90 = arith.constant 0 : index
      %swap3A_91 = vector.load %arg13[%swap3A_89, %swap3A_90] : memref<1x32xf32, #tpu.memory_space<vmem>>, vector<1x32xf32>
      tpu.vector_store %arg13[%swap3A_89, %swap3A_90], %broadcast_in_dim3A_88 {strides = array<i32>} : memref<1x32xf32, #tpu.memory_space<vmem>>, vector<1x32xf32>,
      %broadcast_in_dim3A_92 = arith.constant 0.000000e+00 : f32
      %broadcast_in_dim3A_93 = vector.broadcast %broadcast_in_dim3A_92 : f32 to vector<1x32xf32>
      %swap3A_94 = arith.constant 0 : index
      %swap3A_95 = arith.constant 0 : index
      %swap3A_96 = vector.load %arg14[%swap3A_94, %swap3A_95] : memref<1x32xf32, #tpu.memory_space<vmem>>, vector<1x32xf32>
      tpu.vector_store %arg14[%swap3A_94, %swap3A_95], %broadcast_in_dim3A_93 {strides = array<i32>} : memref<1x32xf32, #tpu.memory_space<vmem>>, vector<1x32xf32>,
      %broadcast_in_dim3A_97 = arith.constant 0.000000e+00 : f32
      %broadcast_in_dim3A_98 = vector.broadcast %broadcast_in_dim3A_97 : f32 to vector<1x32xf32>
      %swap3A_99 = arith.constant 0 : index
      %swap3A_100 = arith.constant 0 : index
      %swap3A_101 = vector.load %arg15[%swap3A_99, %swap3A_100] : memref<1x32xf32, #tpu.memory_space<vmem>>, vector<1x32xf32>
      tpu.vector_store %arg15[%swap3A_99, %swap3A_100], %broadcast_in_dim3A_98 {strides = array<i32>} : memref<1x32xf32, #tpu.memory_space<vmem>>, vector<1x32xf32>,
      %broadcast_in_dim3A_102 = arith.constant 0.000000e+00 : f32
      %broadcast_in_dim3A_103 = vector.broadcast %broadcast_in_dim3A_102 : f32 to vector<1x32xf32>
      %swap3A_104 = arith.constant 0 : index
      %swap3A_105 = arith.constant 0 : index
      %swap3A_106 = vector.load %arg16[%swap3A_104, %swap3A_105] : memref<1x32xf32, #tpu.memory_space<vmem>>, vector<1x32xf32>
      tpu.vector_store %arg16[%swap3A_104, %swap3A_105], %broadcast_in_dim3A_103 {strides = array<i32>} : memref<1x32xf32, #tpu.memory_space<vmem>>, vector<1x32xf32>,
    } else {
    }
    %get3A = arith.constant 0 : index
    %get3A_2 = arith.constant 0 : index
    %get3A_3 = vector.load %arg5[%get3A, %get3A_2] : memref<2000x32xf32, #tpu.memory_space<vmem>>, vector<2000x32xf32>
    %get3A_4 = arith.constant 0 : index
    %get3A_5 = arith.constant 0 : index
    %get3A_6 = vector.load %arg6[%get3A_4, %get3A_5] : memref<2000x32xf32, #tpu.memory_space<vmem>>, vector<2000x32xf32>
    %add3A = arith.addf %get3A_3, %get3A_6 : vector<2000x32xf32>
    %get3A_7 = arith.constant 0 : index
    %get3A_8 = arith.constant 0 : index
    %get3A_9 = vector.load %arg7[%get3A_7, %get3A_8] : memref<1x32xf32, #tpu.memory_space<vmem>>, vector<1x32xf32>
    %add3A_10 = vector.broadcast %get3A_9 : vector<1x32xf32> to vector<2000x32xf32>
    %add3A_11 = arith.addf %add3A, %add3A_10 : vector<2000x32xf32>
    %get3A_12 = arith.constant 0 : index
    %get3A_13 = arith.constant 0 : index
    %get3A_14 = vector.load %arg8[%get3A_12, %get3A_13] : memref<2000x32xf32, #tpu.memory_space<vmem>>, vector<2000x32xf32>
    %add3A_15 = arith.addf %add3A_11, %get3A_14 : vector<2000x32xf32>
    %max3A = arith.constant 0.000000e+00 : f32
    %max3A_16 = vector.broadcast %max3A : f32 to vector<2000x32xf32>
    %max3A_17 = arith.maximumf %add3A_15, %max3A_16 : vector<2000x32xf32>
    %get3A_18 = arith.constant 0 : index
    %get3A_19 = arith.constant 0 : index
    %get3A_20 = vector.load %arg12[%get3A_18, %get3A_19] : memref<1x256xf32, #tpu.memory_space<vmem>>, vector<1x256xf32>
    %get3A_21 = arith.constant 0 : index
    %get3A_22 = arith.constant 0 : index
    %get3A_23 = vector.load %arg1[%get3A_21, %get3A_22] : memref<2000x256xf32, #tpu.memory_space<vmem>>, vector<2000x256xf32>
    %reduce_sum3A = arith.constant dense<0.000000e+00> : vector<256xf32>
    %reduce_sum3A_24 = vector.multi_reduction <add>, %get3A_23, %reduce_sum3A [0] : vector<2000x256xf32> to vector<256xf32>
    %broadcast_in_dim3A = vector.shape_cast %reduce_sum3A_24 : vector<256xf32> to vector<1x256xf32>
    %add3A_25 = arith.addf %get3A_20, %broadcast_in_dim3A : vector<1x256xf32>
    %swap3A = arith.constant 0 : index
    %swap3A_26 = arith.constant 0 : index
    %swap3A_27 = vector.load %arg12[%swap3A, %swap3A_26] : memref<1x256xf32, #tpu.memory_space<vmem>>, vector<1x256xf32>
    tpu.vector_store %arg12[%swap3A, %swap3A_26], %add3A_25 {strides = array<i32>} : memref<1x256xf32, #tpu.memory_space<vmem>>, vector<1x256xf32>,
    %get3A_28 = arith.constant 0 : index
    %get3A_29 = arith.constant 0 : index
    %get3A_30 = vector.load %arg13[%get3A_28, %get3A_29] : memref<1x32xf32, #tpu.memory_space<vmem>>, vector<1x32xf32>
    %get3A_31 = arith.constant 0 : index
    %get3A_32 = arith.constant 0 : index
    %get3A_33 = vector.load %arg2[%get3A_31, %get3A_32] : memref<2000x32xf32, #tpu.memory_space<vmem>>, vector<2000x32xf32>
    %reduce_sum3A_34 = arith.constant dense<0.000000e+00> : vector<32xf32>
    %reduce_sum3A_35 = vector.multi_reduction <add>, %get3A_33, %reduce_sum3A_34 [0] : vector<2000x32xf32> to vector<32xf32>
    %broadcast_in_dim3A_36 = vector.shape_cast %reduce_sum3A_35 : vector<32xf32> to vector<1x32xf32>
    %add3A_37 = arith.addf %get3A_30, %broadcast_in_dim3A_36 : vector<1x32xf32>
    %swap3A_38 = arith.constant 0 : index
    %swap3A_39 = arith.constant 0 : index
    %swap3A_40 = vector.load %arg13[%swap3A_38, %swap3A_39] : memref<1x32xf32, #tpu.memory_space<vmem>>, vector<1x32xf32>
    tpu.vector_store %arg13[%swap3A_38, %swap3A_39], %add3A_37 {strides = array<i32>} : memref<1x32xf32, #tpu.memory_space<vmem>>, vector<1x32xf32>,
    %get3A_41 = arith.constant 0 : index
    %get3A_42 = arith.constant 0 : index
    %get3A_43 = vector.load %arg14[%get3A_41, %get3A_42] : memref<1x32xf32, #tpu.memory_space<vmem>>, vector<1x32xf32>
    %get3A_44 = arith.constant 0 : index
    %get3A_45 = arith.constant 0 : index
    %get3A_46 = vector.load %arg3[%get3A_44, %get3A_45] : memref<2000x32xf32, #tpu.memory_space<vmem>>, vector<2000x32xf32>
    %reduce_sum3A_47 = arith.constant dense<0.000000e+00> : vector<32xf32>
    %reduce_sum3A_48 = vector.multi_reduction <add>, %get3A_46, %reduce_sum3A_47 [0] : vector<2000x32xf32> to vector<32xf32>
    %broadcast_in_dim3A_49 = vector.shape_cast %reduce_sum3A_48 : vector<32xf32> to vector<1x32xf32>
    %add3A_50 = arith.addf %get3A_43, %broadcast_in_dim3A_49 : vector<1x32xf32>
    %swap3A_51 = arith.constant 0 : index
    %swap3A_52 = arith.constant 0 : index
    %swap3A_53 = vector.load %arg14[%swap3A_51, %swap3A_52] : memref<1x32xf32, #tpu.memory_space<vmem>>, vector<1x32xf32>
    tpu.vector_store %arg14[%swap3A_51, %swap3A_52], %add3A_50 {strides = array<i32>} : memref<1x32xf32, #tpu.memory_space<vmem>>, vector<1x32xf32>,
    %get3A_54 = arith.constant 0 : index
    %get3A_55 = arith.constant 0 : index
    %get3A_56 = vector.load %arg15[%get3A_54, %get3A_55] : memref<1x32xf32, #tpu.memory_space<vmem>>, vector<1x32xf32>
    %get3A_57 = arith.constant 0 : index
    %get3A_58 = arith.constant 0 : index
    %get3A_59 = vector.load %arg4[%get3A_57, %get3A_58] : memref<2000x32xf32, #tpu.memory_space<vmem>>, vector<2000x32xf32>
    %reduce_sum3A_60 = arith.constant dense<0.000000e+00> : vector<32xf32>
    %reduce_sum3A_61 = vector.multi_reduction <add>, %get3A_59, %reduce_sum3A_60 [0] : vector<2000x32xf32> to vector<32xf32>
    %broadcast_in_dim3A_62 = vector.shape_cast %reduce_sum3A_61 : vector<32xf32> to vector<1x32xf32>
    %add3A_63 = arith.addf %get3A_56, %broadcast_in_dim3A_62 : vector<1x32xf32>
    %swap3A_64 = arith.constant 0 : index
    %swap3A_65 = arith.constant 0 : index
    %swap3A_66 = vector.load %arg15[%swap3A_64, %swap3A_65] : memref<1x32xf32, #tpu.memory_space<vmem>>, vector<1x32xf32>
    tpu.vector_store %arg15[%swap3A_64, %swap3A_65], %add3A_63 {strides = array<i32>} : memref<1x32xf32, #tpu.memory_space<vmem>>, vector<1x32xf32>,
    %get3A_67 = arith.constant 0 : index
    %get3A_68 = arith.constant 0 : index
    %get3A_69 = vector.load %arg16[%get3A_67, %get3A_68] : memref<1x32xf32, #tpu.memory_space<vmem>>, vector<1x32xf32>
    %reduce_sum3A_70 = arith.constant dense<0.000000e+00> : vector<32xf32>
    %reduce_sum3A_71 = vector.multi_reduction <add>, %max3A_17, %reduce_sum3A_70 [0] : vector<2000x32xf32> to vector<32xf32>
    %broadcast_in_dim3A_72 = vector.shape_cast %reduce_sum3A_71 : vector<32xf32> to vector<1x32xf32>
    %add3A_73 = arith.addf %get3A_69, %broadcast_in_dim3A_72 : vector<1x32xf32>
    %swap3A_74 = arith.constant 0 : index
    %swap3A_75 = arith.constant 0 : index
    %swap3A_76 = vector.load %arg16[%swap3A_74, %swap3A_75] : memref<1x32xf32, #tpu.memory_space<vmem>>, vector<1x32xf32>
    tpu.vector_store %arg16[%swap3A_74, %swap3A_75], %add3A_73 {strides = array<i32>} : memref<1x32xf32, #tpu.memory_space<vmem>>, vector<1x32xf32>,
    %eq3A_77 = arith.constant 4 : i32
    %eq3A_78 = arith.cmpi eq, %arg0, %eq3A_77 : i32
    %convert_element_type3A_79 = arith.extui %eq3A_78 : i1 to i32
    %cond3A_80 = arith.constant 0 : i32
    %cond3A_81 = arith.cmpi ne, %convert_element_type3A_79, %cond3A_80 : i32
    scf.if %cond3A_81 {
      %get3A_82 = arith.constant 0 : index
      %get3A_83 = arith.constant 0 : index
      %get3A_84 = vector.load %arg12[%get3A_82, %get3A_83] : memref<1x256xf32, #tpu.memory_space<vmem>>, vector<1x256xf32>
      %mul3A = arith.constant 9.99999974E-5 : f32
      %mul3A_85 = vector.broadcast %mul3A : f32 to vector<1x256xf32>
      %mul3A_86 = arith.mulf %get3A_84, %mul3A_85 : vector<1x256xf32>
      %get3A_87 = arith.constant 0 : index
      %get3A_88 = arith.constant 0 : index
      %get3A_89 = vector.load %arg9[%get3A_87, %get3A_88] : memref<384x10xf32, #tpu.memory_space<vmem>>, vector<256x10xf32>
      %dot_general3A = arith.constant dense<0.000000e+00> : vector<1x10xf32>
      %dot_general3A_90 = tpu.matmul %mul3A_86, %get3A_89, %dot_general3A {dimension_numbers = #tpu.dot_dimension_numbers<[1], [0], [0], [1], [0, 0, 1, 1], [], []>, transpose_lhs_hint = false} : vector<1x256xf32>, vector<256x10xf32>, vector<1x10xf32> -> vector<1x10xf32>
      %get3A_91 = arith.constant 0 : index
      %get3A_92 = arith.constant 0 : index
      %get3A_93 = vector.load %arg13[%get3A_91, %get3A_92] : memref<1x32xf32, #tpu.memory_space<vmem>>, vector<1x32xf32>
      %mul3A_94 = arith.constant 9.99999974E-5 : f32
      %mul3A_95 = vector.broadcast %mul3A_94 : f32 to vector<1x32xf32>
      %mul3A_96 = arith.mulf %get3A_93, %mul3A_95 : vector<1x32xf32>
      %get3A_97 = arith.constant 256 : index
      %get3A_98 = arith.constant 0 : index
      %get3A_99 = vector.load %arg9[%get3A_97, %get3A_98] : memref<384x10xf32, #tpu.memory_space<vmem>>, vector<32x10xf32>
      %dot_general3A_100 = arith.constant dense<0.000000e+00> : vector<1x10xf32>
      %dot_general3A_101 = tpu.matmul %mul3A_96, %get3A_99, %dot_general3A_100 {dimension_numbers = #tpu.dot_dimension_numbers<[1], [0], [0], [1], [0, 0, 1, 1], [], []>, transpose_lhs_hint = false} : vector<1x32xf32>, vector<32x10xf32>, vector<1x10xf32> -> vector<1x10xf32>
      %add3A_102 = arith.addf %dot_general3A_90, %dot_general3A_101 : vector<1x10xf32>
      %get3A_103 = arith.constant 0 : index
      %get3A_104 = arith.constant 0 : index
      %get3A_105 = vector.load %arg14[%get3A_103, %get3A_104] : memref<1x32xf32, #tpu.memory_space<vmem>>, vector<1x32xf32>
      %mul3A_106 = arith.constant 9.99999974E-5 : f32
      %mul3A_107 = vector.broadcast %mul3A_106 : f32 to vector<1x32xf32>
      %mul3A_108 = arith.mulf %get3A_105, %mul3A_107 : vector<1x32xf32>
      %get3A_109 = arith.constant 288 : index
      %get3A_110 = arith.constant 0 : index
      %get3A_111 = vector.load %arg9[%get3A_109, %get3A_110] : memref<384x10xf32, #tpu.memory_space<vmem>>, vector<32x10xf32>
      %dot_general3A_112 = arith.constant dense<0.000000e+00> : vector<1x10xf32>
      %dot_general3A_113 = tpu.matmul %mul3A_108, %get3A_111, %dot_general3A_112 {dimension_numbers = #tpu.dot_dimension_numbers<[1], [0], [0], [1], [0, 0, 1, 1], [], []>, transpose_lhs_hint = false} : vector<1x32xf32>, vector<32x10xf32>, vector<1x10xf32> -> vector<1x10xf32>
      %add3A_114 = arith.addf %add3A_102, %dot_general3A_113 : vector<1x10xf32>
      %get3A_115 = arith.constant 0 : index
      %get3A_116 = arith.constant 0 : index
      %get3A_117 = vector.load %arg15[%get3A_115, %get3A_116] : memref<1x32xf32, #tpu.memory_space<vmem>>, vector<1x32xf32>
      %mul3A_118 = arith.constant 9.99999974E-5 : f32
      %mul3A_119 = vector.broadcast %mul3A_118 : f32 to vector<1x32xf32>
      %mul3A_120 = arith.mulf %get3A_117, %mul3A_119 : vector<1x32xf32>
      %get3A_121 = arith.constant 320 : index
      %get3A_122 = arith.constant 0 : index
      %get3A_123 = vector.load %arg9[%get3A_121, %get3A_122] : memref<384x10xf32, #tpu.memory_space<vmem>>, vector<32x10xf32>
      %dot_general3A_124 = arith.constant dense<0.000000e+00> : vector<1x10xf32>
      %dot_general3A_125 = tpu.matmul %mul3A_120, %get3A_123, %dot_general3A_124 {dimension_numbers = #tpu.dot_dimension_numbers<[1], [0], [0], [1], [0, 0, 1, 1], [], []>, transpose_lhs_hint = false} : vector<1x32xf32>, vector<32x10xf32>, vector<1x10xf32> -> vector<1x10xf32>
      %add3A_126 = arith.addf %add3A_114, %dot_general3A_125 : vector<1x10xf32>
      %get3A_127 = arith.constant 0 : index
      %get3A_128 = arith.constant 0 : index
      %get3A_129 = vector.load %arg16[%get3A_127, %get3A_128] : memref<1x32xf32, #tpu.memory_space<vmem>>, vector<1x32xf32>
      %mul3A_130 = arith.constant 9.99999974E-5 : f32
      %mul3A_131 = vector.broadcast %mul3A_130 : f32 to vector<1x32xf32>
      %mul3A_132 = arith.mulf %get3A_129, %mul3A_131 : vector<1x32xf32>
      %get3A_133 = arith.constant 352 : index
      %get3A_134 = arith.constant 0 : index
      %get3A_135 = vector.load %arg9[%get3A_133, %get3A_134] : memref<384x10xf32, #tpu.memory_space<vmem>>, vector<32x10xf32>
      %dot_general3A_136 = arith.constant dense<0.000000e+00> : vector<1x10xf32>
      %dot_general3A_137 = tpu.matmul %mul3A_132, %get3A_135, %dot_general3A_136 {dimension_numbers = #tpu.dot_dimension_numbers<[1], [0], [0], [1], [0, 0, 1, 1], [], []>, transpose_lhs_hint = false} : vector<1x32xf32>, vector<32x10xf32>, vector<1x10xf32> -> vector<1x10xf32>
      %add3A_138 = arith.addf %add3A_126, %dot_general3A_137 : vector<1x10xf32>
      %get3A_139 = arith.constant 0 : index
      %get3A_140 = arith.constant 0 : index
      %get3A_141 = vector.load %arg10[%get3A_139, %get3A_140] : memref<1x10xf32, #tpu.memory_space<vmem>>, vector<1x10xf32>
      %add3A_142 = arith.addf %add3A_138, %get3A_141 : vector<1x10xf32>
      %reduce_max3A = arith.constant dense<0xFF800000> : vector<1xf32>
      %reduce_max3A_143 = vector.multi_reduction <maximumf>, %add3A_142, %reduce_max3A [1] : vector<1x10xf32> to vector<1xf32>
      %broadcast_in_dim3A_144 = vector.shape_cast %reduce_max3A_143 : vector<1xf32> to vector<1x1xf32>
      %sub3A = vector.broadcast %broadcast_in_dim3A_144 : vector<1x1xf32> to vector<1x10xf32>
      %sub3A_145 = arith.subf %add3A_142, %sub3A : vector<1x10xf32>
      %exp3A = math.exp %sub3A_145 : vector<1x10xf32>
      %reduce_sum3A_146 = arith.constant dense<0.000000e+00> : vector<1xf32>
      %reduce_sum3A_147 = vector.multi_reduction <add>, %exp3A, %reduce_sum3A_146 [1] : vector<1x10xf32> to vector<1xf32>
      %broadcast_in_dim3A_148 = vector.shape_cast %reduce_sum3A_147 : vector<1xf32> to vector<1x1xf32>
      %log3A = math.log %broadcast_in_dim3A_148 : vector<1x1xf32>
      %sub3A_149 = vector.broadcast %log3A : vector<1x1xf32> to vector<1x10xf32>
      %sub3A_150 = arith.subf %sub3A_145, %sub3A_149 : vector<1x10xf32>
      %swap3A_151 = arith.constant 0 : index
      %swap3A_152 = arith.constant 0 : index
      %swap3A_153 = vector.load %arg11[%swap3A_151, %swap3A_152] : memref<1x10xf32, #tpu.memory_space<vmem>>, vector<1x10xf32>
      tpu.vector_store %arg11[%swap3A_151, %swap3A_152], %sub3A_150 {strides = array<i32>} : memref<1x10xf32, #tpu.memory_space<vmem>>, vector<1x10xf32>,
    } else {
    }
    return
  }
  func.func @transform_0(%arg0: i32) -> (i32, i32) {
    %c0_i32 = arith.constant 0 : i32
    %c0_i32_0 = arith.constant 0 : i32
    return %arg0, %c0_i32 : i32, i32
  }
  func.func @transform_1(%arg0: i32) -> (i32, i32) {
    %c0_i32 = arith.constant 0 : i32
    %c0_i32_0 = arith.constant 0 : i32
    return %arg0, %c0_i32 : i32, i32
  }
  func.func @transform_2(%arg0: i32) -> (i32, i32) {
    %c0_i32 = arith.constant 0 : i32
    %c0_i32_0 = arith.constant 0 : i32
    return %arg0, %c0_i32 : i32, i32
  }
  func.func @transform_3(%arg0: i32) -> (i32, i32) {
    %c0_i32 = arith.constant 0 : i32
    %c0_i32_0 = arith.constant 0 : i32
    return %arg0, %c0_i32 : i32, i32
  }
  func.func @transform_4(%arg0: i32) -> (i32, i32) {
    %c0_i32 = arith.constant 0 : i32
    %c0_i32_0 = arith.constant 0 : i32
    return %arg0, %c0_i32 : i32, i32
  }
  func.func @transform_5(%arg0: i32) -> (i32, i32) {
    %c0_i32 = arith.constant 0 : i32
    %c0_i32_0 = arith.constant 0 : i32
    return %arg0, %c0_i32 : i32, i32
  }
  func.func @transform_6(%arg0: i32) -> (i32, i32) {
    %c0_i32 = arith.constant 0 : i32
    %c0_i32_0 = arith.constant 0 : i32
    %c0_i32_1 = arith.constant 0 : i32
    return %c0_i32, %c0_i32_0 : i32, i32
  }
  func.func @transform_7(%arg0: i32) -> (i32, i32) {
    %c0_i32 = arith.constant 0 : i32
    %c0_i32_0 = arith.constant 0 : i32
    return %arg0, %c0_i32 : i32, i32
  }
  func.func @transform_8(%arg0: i32) -> (i32, i32) {
    %c0_i32 = arith.constant 0 : i32
    %c0_i32_0 = arith.constant 0 : i32
    %c0_i32_1 = arith.constant 0 : i32
    return %c0_i32, %c0_i32_0 : i32, i32
  }
  func.func @transform_9(%arg0: i32) -> (i32, i32) {
    %c0_i32 = arith.constant 0 : i32
    %c0_i32_0 = arith.constant 0 : i32
    %c0_i32_1 = arith.constant 0 : i32
    return %c0_i32, %c0_i32_0 : i32, i32
  }
  func.func @transform_10(%arg0: i32) -> (i32, i32) {
    %c0_i32 = arith.constant 0 : i32
    %c0_i32_0 = arith.constant 0 : i32
    %c0_i32_1 = arith.constant 0 : i32
    return %c0_i32, %c0_i32_0 : i32, i32
  }
}

</mosaic_0001>

<sc_bundles>
// kernel: kernel.11.cloned.1.call-start
scs
__scs_entry_jumppad:
0x0: {  	(pc) =	sbr.rel $0x88, $3  }
0x1: {  	(tag) =	ssettag $0x0;
	lr =	simm.s32 $0x1  }
0x2: {  	[smem:$0x3F91] =	sst lr;
	_ =	strace $0xD0000000  }
0x3: {  	_ = 	snop  }
0x4: {  	_ = 	snop  }
0x5: {  	_ = 	snop  }
0x6: {  	_ = 	snop  }
0x7: {  	_ = 	snop  }
__scs_overlays_trampoline_lowered:
0x8: {  	[smem:$0x3FA0] =	sst s0  }
0x9: {  	[smem:$0x3FA1] =	sst s1  }
0xa: {  	[smem:$0x3FA2] =	sst s2  }
0xb: {  	[smem:$0x3FA3] =	sst s3  }
0xc: {  	[smem:$0x3FA4] =	sst s4  }
0xd: {  	[smem:$0x3FA5] =	sst s5  }
0xe: {  	[smem:$0x3FA6] =	sst s6  }
0xf: {  	[smem:$0x3FA7] =	sst s7  }
0x10: {  	[smem:$0x3FA8] =	sst s8  }
0x11: {  	[smem:$0x3FA9] =	sst s9;
	s0 =	simm.s32 @!p0 $0x0  }
0x12: {  	s1 =	sld [smem:$0x3F8F];
	s0 =	simm.s32 @p0 $0x1  }
0x13: {  	[smem:$0x3FAA] =	sst s0;
	s0 =	simm.s32 @!p1 $0x0  }
0x14: {  	s2 =	sld [smem:$0x3F8E];
	s0 =	simm.s32 @p1 $0x1  }
0x15: {  	[smem:$0x3FAB] =	sst s0;
	s0 =	simm.s32 @!p2 $0x0  }
0x16: {  	s3 =	sld [smem:$0x3FDB];
	s0 =	simm.s32 @p2 $0x1  }
0x17: {  	s4 =	simm.s32 $0x1BF5;
	[smem:$0x3FAD] =	sst s0  }
0x18: {  	s0 =	sld [smem:$0x3F90];
	_ =	swait.ge [sflag:s4], $0x0  }
0x19: {  	s7 =	sld [smem:$0x3F91]  }
0x1a: {  	s8 =	sadd.s32 $0xFFFFE003, lr  }
0x1b: {  	s9 =	sadd.s32 $0xFFFFFEF7, lr;
	s5 =	simm.s32 $0xFFFFFFFF;
	p2 =	slt.u32 s8, $0xFFFFF086  }
0x1c: {  	p1 =	slt.u32 s9, $0xF7A;
	s5 =	simm.s32 @!p2 $0x0  }
0x1d: {  	s5 =	simm.s32 @p1 $0x1;
	p0 =	seq.s32 s7, s2  }
0x1e: {  	s7 =	smul.u32 @!p0 $0xF7A, s2;
	p2 =	seq.s32 @!p0 s5, $0x0  }
0x1f: {  	s9 =	smul.u32 $0xF7A, s1;
	s8 =	simm.s32 @!p0 $0x1BF5;
	p2 =	por !p2, p0  }
0x20: {  	[sflag:s8] =	ssyncset.s32 @!p0 $0xFFFFF086;
	s6 =	sadd.s32 @!p0 s3, s7;
	s7 =	simm.s32 @!p0 $0x108  }
0x21: {  	s3 =	sadd.s32 s3, s9;
	s6 =	sadd.s32 @!p0 $0x88, s6;
	s7 =	simm.s32 @p2 $0x1082  }
0x22: {  	[simem:s7], [sflag:s8] =	dma.local @!p0 [hbm:s6], $0xF7A  }
0x23: {  	s9 =	sor.u32 $0xD0000000, s2;
	s6 =	simm.s32 $0x108;
	_ =	swait.ge @!p0 [sflag:s8], $0x0  }
0x24: {  	s3 =	sadd.s32 $0x88, s3;
	s6 =	simm.s32 @!p1 $0x1082;
	[sflag:s4] =	ssyncset.s32 $0xFFFFF086  }
0x25: {  	[simem:s6], [sflag:s4] =	dma.local [hbm:s3], $0xF7A  }
0x26: {  	[smem:$0x3F91] =	sst s1;
	(tag) =	ssettag s2;
	_ =	strace s9  }
0x27: {  	s1 =	sld [smem:$0x3FA1]  }
0x28: {  	s2 =	sld [smem:$0x3FA2]  }
0x29: {  	s4 =	sld [smem:$0x3FA4]  }
0x2a: {  	p0 =	seq.s32 s5, $0x0;
	s5 =	sld [smem:$0x3FA5]  }
0x2b: {  	s6 =	sld [smem:$0x3FA6]  }
0x2c: {  	s7 =	sld [smem:$0x3FA7]  }
0x2d: {  	s3 =	simm.s32 $0x108;
	s8 =	sld [smem:$0x3FA8]  }
0x2e: {  	s3 =	simm.s32 @!p0 $0x1082;
	s9 =	sld [smem:$0x3FA9]  }
0x2f: {  	lr =	sadd.s32 s0, s3;
	s0 =	sld [smem:$0x3FA0]  }
0x30: {  	s3 =	sld [smem:$0x3FA3]  }
0x31: {  	[smem:$0x3FAC] =	sst s10  }
0x32: {  	s10 =	sld [smem:$0x3FAA];
	_ =	sdelay $0x3  }
0x33: {  	p0 =	seq.s32 s10, $0x1;
	s10 =	sld [smem:$0x3FAC];
	_ =	sdelay $0x3  }
0x34: {  	[smem:$0x3FAC] =	sst s10  }
0x35: {  	s10 =	sld [smem:$0x3FAB];
	_ =	sdelay $0x3  }
0x36: {  	p1 =	seq.s32 s10, $0x1;
	s10 =	sld [smem:$0x3FAC];
	_ =	sdelay $0x3  }
0x37: {  	[smem:$0x3FAC] =	sst s10  }
0x38: {  	s10 =	sld [smem:$0x3FAD]  }
0x39: {  	_ = 	snop;
	(pc) =	sbr.ind lr, $3  }
0x3a: {  	_ = 	snop  }
0x3b: {  	_ = 	snop  }
0x3c: {  	p2 =	seq.s32 s10, $0x1;
	s10 =	sld [smem:$0x3FAC]  }
0x3d: {  	_ =	shalt  }
0x3e: {  	_ =	shalt  }
0x3f: {  	_ =	shalt  }
0x40: {  	_ =	shalt  }
0x41: {  	_ =	shalt  }
0x42: {  	_ =	shalt  }
0x43: {  	_ =	shalt  }
0x44: {  	_ =	shalt  }
0x45: {  	_ =	shalt  }
0x46: {  	_ =	shalt  }
0x47: {  	_ =	shalt  }
0x48: {  	_ =	shalt  }
0x49: {  	_ =	shalt  }
0x4a: {  	_ =	shalt  }
0x4b: {  	_ =	shalt  }
0x4c: {  	_ =	shalt  }
0x4d: {  	_ =	shalt  }
0x4e: {  	_ =	shalt  }
0x4f: {  	_ =	shalt  }
0x50: {  	_ =	shalt  }
0x51: {  	_ =	shalt  }
0x52: {  	_ =	shalt  }
0x53: {  	_ =	shalt  }
0x54: {  	_ =	shalt  }
0x55: {  	_ =	shalt  }
0x56: {  	_ =	shalt  }
0x57: {  	_ =	shalt  }
0x58: {  	_ =	shalt  }
0x59: {  	_ =	shalt  }
0x5a: {  	_ =	shalt  }
0x5b: {  	_ =	shalt  }
0x5c: {  	_ =	shalt  }
0x5d: {  	_ =	shalt  }
0x5e: {  	_ =	shalt  }
0x5f: {  	_ =	shalt  }
0x60: {  	_ =	shalt  }
0x61: {  	_ =	shalt  }
0x62: {  	_ =	shalt  }
0x63: {  	_ =	shalt  }
0x64: {  	_ =	shalt  }
0x65: {  	_ =	shalt  }
0x66: {  	_ =	shalt  }
0x67: {  	_ =	shalt  }
0x68: {  	_ =	shalt  }
0x69: {  	_ =	shalt  }
0x6a: {  	_ =	shalt  }
0x6b: {  	_ =	shalt  }
0x6c: {  	_ =	shalt  }
0x6d: {  	_ =	shalt  }
0x6e: {  	_ =	shalt  }
0x6f: {  	_ =	shalt  }
0x70: {  	_ =	shalt  }
0x71: {  	_ =	shalt  }
0x72: {  	_ =	shalt  }
0x73: {  	_ =	shalt  }
0x74: {  	_ =	shalt  }
0x75: {  	_ =	shalt  }
0x76: {  	_ =	shalt  }
0x77: {  	_ =	shalt  }
0x78: {  	_ =	shalt  }
0x79: {  	_ =	shalt  }
0x7a: {  	_ =	shalt  }
0x7b: {  	_ =	shalt  }
0x7c: {  	_ =	shalt  }
0x7d: {  	_ =	shalt  }
0x7e: {  	_ =	shalt  }
0x7f: {  	_ =	shalt  }
0x80: {  	_ =	shalt  }
0x81: {  	_ =	shalt  }
0x82: {  	_ =	shalt  }
0x83: {  	_ =	shalt  }
0x84: {  	_ =	shalt  }
0x85: {  	_ =	shalt  }
0x86: {  	_ =	shalt  }
0x87: {  	_ =	shalt  }
.Lfunc_end0:
.L_simem_size_0:
called_computation_lowered:
.L_overlay_start_0:
0x88: {  	s2 =	sld [smem:$0x3FD9]  }
0x89: {  	s3 =	sld [smem:$0x3FFE];
	_ =	sdelay $0x1  }
0x8a: {  	s1 =	srdreg.scid  }
0x8b: {  	s0 =	sand.u32 $0x1, s1  }
0x8c: {  	s16 =	sshll.u32 s0, $0xA;
	s2 =	sadd.s32 s3, s2  }
0x8d: {  	s2 =	sadd.s32 s2, s16  }
0x8e: {  	[smem:$0x3FB8] =	sst s2  }
0x8f: {  	_ = 	snop  }
0x90: {  	(tm) =	ssettm $0x1  }
0x91: {  	s17 =	sld [smem:$0x3FFB];
	_ =	sdelay $0x3  }
0x92: {  	_ =	strace s17  }
0x93: {  	s2 =	sld [smem:$0x3FFC];
	_ =	sdelay $0x3  }
0x94: {  	_ =	strace s2  }
0x95: {  	s2 =	sld [smem:$0x3FFD];
	_ =	sdelay $0x3  }
0x96: {  	_ =	strace s2  }
0x97: {  	_ =	strace $0x8FFFFFFF  }
0x98: {  	s18 =	sld [smem:$0x3FDB];
	_ =	sdelay $0x1  }
0x99: {  	s19 =	simm.s32 $_scs_section_size  }
0x9a: {  	s4 =	simm.s32 $_size__tile_overlayer_lowered;
	s5 =	simm.s32 $_tile_overlayer_lowered  }
0x9b: {  	s22 =	simm.s32 $0x1BFF;
	s21 =	sshll.u32 s5, $0x1;
	s2 =	sadd.s32 s19, s18  }
0x9c: {  	s6 =	simm.s32 $0x0;
	s20 =	sshll.u32 s4, $0x1;
	s4 =	sadd.s32 s21, s2  }
0x9d: {  	[timem:s6], [sflag:s22] =	dma.local [hbm:s4], s20  }
0x9e: {  	_ =	swait.ge [sflag:s22], s20  }
0x9f: {  	s3 =	ssub.s32 $0x0, s20;
	[sflag:s22] =	ssyncset.done $0x0  }
0xa0: {  	[sflag:s22] =	ssyncadd.s32 s3;
	_ =	sdelay $0x1  }
0xa1: {  	s23 =	simm.s32 $0x1B8B  }
0xa2: {  	_ =	swait.ge [sflag:s23], $0x1  }
0xa3: {  	[sflag:s23] =	ssyncset.done $0x0  }
0xa4: {  	s25 =	simm.s32 $0x1B8E;
	s24 =	sld [smem:$0x3FFE];
	[sflag:s23] =	ssyncadd.s32 $0xFFFFFFFF  }
0xa5: {  	s26 =	simm.s32 $execute0_lowered;
	[smem:$0x3FD2] =	sst s25  }
0xa6: {  	s4 =	sshll.u32 s26, $0x1;
	_ =	strace $0x80000046;
	[dreg:$0x1] =	wrdreg $0xFFFFFFFF  }
0xa7: {  	s28 =	simm.s32 $_size_execute0_lowered;
	s2 =	sadd.s32 s2, s4;
	[dreg:$0x0] =	wrdreg $0x0  }
0xa8: {  	s4 =	sshll.u32 s28, $0x1;
	[dreg:$0x2] =	wrdreg s2  }
0xa9: {  	[dreg:$0x3] =	wrdreg s4  }
0xaa: {  	[dreg:$0x4] =	wrdreg $0xC0  }
0xab: {  	_ =	task [dreg:s6], $0x5FFFF  }
0xac: {  	[dreg:$0x1] =	wrdreg $0xFFFFFFFF  }
0xad: {  	[dreg:$0x0] =	wrdreg $0x60  }
0xae: {  	[dreg:$0x2] =	wrdreg s24  }
0xaf: {  	[dreg:$0x3] =	wrdreg $0x84D00  }
0xb0: {  	[dreg:$0x4] =	wrdreg $0x9  }
0xb1: {  	_ =	task.clear_ibuf [dreg:s6], $0x5FFFF;
	_ =	strace $0x90000046  }
0xb2: {  	s29 =	simm.s32 $0x9;
	_ =	strace $0x80000048  }
0xb3: {  	_ =	swait.ge [sflag:s29], $0x1  }
0xb4: {  	[sflag:s29] =	ssyncadd.s32 $0xFFFFFFFF  }
0xb5: {  	_ =	strace $0x90000048  }
0xb6: {  	_ =	sfence  }
0xb7: {  	s30 =	sld [smem:$0x0];
	_ =	sdelay $0x2  }
0xb8: {  	s31 =	sshll.u32 s1, $0xD;
	s1 =	sshrl.u32 s1, $0x2  }
0xb9: {  	s3 =	sand.u32 $0x4000, s31;
	s1 =	sadd.s32 s1, s30  }
0xba: {  	s0 =	sor.u32 s3, s0;
	s1 =	sshll.u32 s1, $0x11  }
0xbb: {  	s0 =	sor.u32 s1, s0  }
0xbc: {  	s0 =	sadd.s32 $0x8F2B, s0  }
0xbd: {  	[sflag:s0] =	ssyncadd.remote.s32 $0x1  }
0xbe: {  	_ =	sfence.sel $0xFFFF  }
0xbf: {  	[dreg:$0x0] =	wrdreg $0xFFFFFFFF;
	(pc) =	sbr.abs _section_cstart, $3  }
0xc0: {  	[dreg:$0x1] =	wrdreg $0xFFFFFFFF  }
0xc1: {  	_ =	task.clear_ibuf [dreg:s6], $0x2FFFF;
	_ =	strace $0x9FFFFFFF  }
0xc2: {  	(tm) =	ssettm $0x7FFFFFFF  }
0xc3: {  	_ =	shalt  }
tec
execute0_lowered:
.L_overlay_start_1:
0x0: {  	(tag) =	ssettag $0x1  }
0x1: {  	s18 =	rddreg [dreg:$0x0]  }
0x2: {  	s2 =	rddreg [dreg:$0x1]  }
0x3: {  	s0 =	rddreg [dreg:$0x2]  }
0x4: {  	s1 =	stileid.u32;
	s4 =	srdreg.scid;
	s3 =	simm.s32 $0x0  }
0x5: {  	s5 =	smul.u32 $0x4E20, s1;
	s19 =	sand.u32 $0x1, s4;
	s26 =	sshll.u32 s1, $0x1  }
0x6: {  	[smem:$0x7FF] =	sst s3;
	s30 =	sshll.u32 s1, $0x6;
	s4 =	sor.u32 s19, s26  }
0x7: {  	_ =	strace $0x80000047;
	s6 =	sshrl.u32 s5, $0x3;
	s8 =	smul.u32 $0x7D, s4  }
0x8: {  	s29 =	sadd.s32 s5, s2;
	s5 =	sor.u32 $0x1C02, s30;
	s28 =	sadd.s32 s6, s18  }
0x9: {  	s7 =	sshrl.u32 s29, $0x3;
	s6 =	simm.s32 $0x2;
	s4 =	sadd.s32 $0x3F200, s28  }
0xa: {  	[spmem:s7], [sflag:s5] =	dma.local [hbm:s4], $0x9C4  }
0xb: {  	_ =	swait.ge [sflag:s6], $0x9C4  }
0xc: {  	[sflag:s6] =	ssyncset.done $0x0  }
0xd: {  	s9 =	simm.s32 $0x3E8;
	s17 =	sadd.s32 s8, s18;
	[sflag:s6] =	ssyncadd.s32 $0xFFFFF63C  }
0xe: {  	s10 =	simm.s32 $0x27100;
	s8 =	sadd.s32 $0x35400, s17;
	[bflag:$0x0] =	sbarrier.arrive $0xFFFF  }
0xf: {  	[tilespmem:s3], [sflag:$0x2] =	stream.strided.gather [hbm4b:s8+s9], $0x7D0, s10, s9, $0x38;
	[tilespmem:$0xD2F0] =	vst v63  }
0x10: {  	_ =	swait.ge [sflag:s6], $0x7D0  }
0x11: {  	s12 =	simm.s32 $0x7D0;
	[sflag:s6] =	ssyncset.done $0x0  }
0x12: {  	s13 =	simm.s32 $0x1;
	s11 =	sadd.s32 $0x2B600, s18;
	[sflag:s6] =	ssyncadd.s32 $0xFFFFF830  }
0x13: {  	[tilespmem:s12], [sflag:$0x1] =	stream.indirect.gather [hbm4b:s11+s9], $0x20, s3, s9, $0xb8;
	[tilespmem:$0xD2F0] =	vst v63  }
0x14: {  	_ =	swait.ge [sflag:s13], $0x7D00  }
0x15: {  	[sflag:s13] =	ssyncset.done $0x0  }
0x16: {  	[sflag:s13] =	ssyncadd.s32 $0xFFFF8300  }
0x17: {  	[spmem:s2] =	stream.indirect.scatter.add.f32 [tilespmem:s12], [sflag:$0x2], $0x20, s9, s9, $0xb8;
	[tilespmem:$0xD2F0] =	vst v63  }
0x18: {  	_ =	swait.ge [sflag:s6], $0x7D00  }
0x19: {  	[sflag:s6] =	ssyncset.done $0x0  }
0x1a: {  	s14 =	sadd.s32 $0x363A0, s17;
	[sflag:s6] =	ssyncadd.s32 $0xFFFF8300  }
0x1b: {  	[tilespmem:s3], [sflag:$0x2] =	stream.strided.gather [hbm4b:s14+s9], $0x7D0, s10, s9, $0x38;
	[tilespmem:$0xD2F0] =	vst v63  }
0x1c: {  	_ =	swait.ge [sflag:s6], $0x7D0  }
0x1d: {  	[sflag:s6] =	ssyncset.done $0x0  }
0x1e: {  	[sflag:s6] =	ssyncadd.s32 $0xFFFFF830  }
0x1f: {  	[tilespmem:s12], [sflag:$0x1] =	stream.indirect.gather [hbm4b:s11+s9], $0x20, s3, s9, $0xb8;
	[tilespmem:$0xD2F0] =	vst v63  }
0x20: {  	_ =	swait.ge [sflag:s13], $0x7D00  }
0x21: {  	[sflag:s13] =	ssyncset.done $0x0  }
0x22: {  	[sflag:s13] =	ssyncadd.s32 $0xFFFF8300  }
0x23: {  	[spmem:s2] =	stream.indirect.scatter.add.f32 [tilespmem:s12], [sflag:$0x2], $0x20, s9, s9, $0xb8;
	[tilespmem:$0xD2F0] =	vst v63  }
0x24: {  	_ =	swait.ge [sflag:s6], $0x7D00  }
0x25: {  	[sflag:s6] =	ssyncset.done $0x0  }
0x26: {  	s15 =	sadd.s32 $0x37340, s17;
	[sflag:s6] =	ssyncadd.s32 $0xFFFF8300  }
0x27: {  	[tilespmem:s3], [sflag:$0x2] =	stream.strided.gather [hbm4b:s15+s9], $0x7D0, s10, s9, $0x38;
	[tilespmem:$0xD2F0] =	vst v63  }
0x28: {  	_ =	swait.ge [sflag:s6], $0x7D0  }
0x29: {  	[sflag:s6] =	ssyncset.done $0x0  }
0x2a: {  	[sflag:s6] =	ssyncadd.s32 $0xFFFFF830  }
0x2b: {  	[tilespmem:s12], [sflag:$0x1] =	stream.indirect.gather [hbm4b:s11+s9], $0x20, s3, s9, $0xb8;
	[tilespmem:$0xD2F0] =	vst v63  }
0x2c: {  	_ =	swait.ge [sflag:s13], $0x7D00  }
0x2d: {  	[sflag:s13] =	ssyncset.done $0x0  }
0x2e: {  	[sflag:s13] =	ssyncadd.s32 $0xFFFF8300  }
0x2f: {  	[spmem:s2] =	stream.indirect.scatter.add.f32 [tilespmem:s12], [sflag:$0x2], $0x20, s9, s9, $0xb8;
	[tilespmem:$0xD2F0] =	vst v63  }
0x30: {  	_ =	swait.ge [sflag:s6], $0x7D00  }
0x31: {  	[sflag:s6] =	ssyncset.done $0x0  }
0x32: {  	s16 =	sadd.s32 $0x382E0, s17;
	[sflag:s6] =	ssyncadd.s32 $0xFFFF8300  }
0x33: {  	[tilespmem:s3], [sflag:$0x2] =	stream.strided.gather [hbm4b:s16+s9], $0x7D0, s10, s9, $0x38;
	[tilespmem:$0xD2F0] =	vst v63  }
0x34: {  	_ =	swait.ge [sflag:s6], $0x7D0  }
0x35: {  	[sflag:s6] =	ssyncset.done $0x0  }
0x36: {  	[sflag:s6] =	ssyncadd.s32 $0xFFFFF830  }
0x37: {  	[tilespmem:s12], [sflag:$0x1] =	stream.indirect.gather [hbm4b:s11+s9], $0x20, s3, s9, $0xb8;
	[tilespmem:$0xD2F0] =	vst v63  }
0x38: {  	_ =	swait.ge [sflag:s13], $0x7D00  }
0x39: {  	[sflag:s13] =	ssyncset.done $0x0  }
0x3a: {  	[sflag:s13] =	ssyncadd.s32 $0xFFFF8300  }
0x3b: {  	[spmem:s2] =	stream.indirect.scatter.add.f32 [tilespmem:s12], [sflag:$0x2], $0x20, s9, s9, $0xb8;
	[tilespmem:$0xD2F0] =	vst v63  }
0x3c: {  	_ =	swait.ge [sflag:s6], $0x7D00  }
0x3d: {  	[sflag:s6] =	ssyncset.done $0x0  }
0x3e: {  	s17 =	sadd.s32 $0x39280, s17;
	[sflag:s6] =	ssyncadd.s32 $0xFFFF8300  }
0x3f: {  	[tilespmem:s3], [sflag:$0x2] =	stream.strided.gather [hbm4b:s17+s9], $0x7D0, s10, s9, $0x38;
	[tilespmem:$0xD2F0] =	vst v63  }
0x40: {  	_ =	swait.ge [sflag:s6], $0x7D0  }
0x41: {  	[sflag:s6] =	ssyncset.done $0x0  }
0x42: {  	[sflag:s6] =	ssyncadd.s32 $0xFFFFF830  }
0x43: {  	[tilespmem:s12], [sflag:$0x1] =	stream.indirect.gather [hbm4b:s11+s9], $0x20, s3, s9, $0xb8;
	[tilespmem:$0xD2F0] =	vst v63  }
0x44: {  	s21 =	smul.u32 $0x9C40, s19;
	s19 =	ssub.s32 $0x2, s19;
	_ =	swait.ge [sflag:s13], $0x7D00  }
0x45: {  	s31 =	sshrl.u32 s19, $0x1;
	[sflag:s13] =	ssyncset.done $0x0  }
0x46: {  	s20 =	smul.u32 $0x9C4, s1;
	s19 =	ssub.s32 s19, s31;
	[sflag:s13] =	ssyncadd.s32 $0xFFFF8300  }
0x47: {  	[spmem:s2] =	stream.indirect.scatter.add.f32 [tilespmem:s12], [sflag:$0x2], $0x20, s9, s9, $0xb8;
	[tilespmem:$0xD2F0] =	vst v63  }
0x48: {  	s19 =	smax.u32 s19, $0x1;
	_ =	swait.ge [sflag:s6], $0x7D00  }
0x49: {  	s20 =	sadd.s32 s20, s21;
	p0 =	sne.s32 s19, $0x1;
	[sflag:s6] =	ssyncset.done $0x0  }
.Ltmp0:
0x4a: {  	s18 =	sadd.s32 s20, s18;
	[sflag:s6] =	ssyncadd.s32 $0xFFFF8300;
	(pc) =	sbr.rel @!p0 .LBB2_2-.Ltmp0, $4  }
0x4b: {  	s18 =	sadd.s32 $0x49000, s18;
	[bflag:$0x0] =	sbarrier.arrive $0xFFFF  }
0x4c: {  	[hbm:s18], [sflag:s5] =	dma.local [spmem:s7], $0x9C4  }
0x4d: {  	_ =	swait.ge [sflag:s6], $0x9C4  }
0x4e: {  	s19 =	sadd.s32 $0xFFFFFFFF, s19;
	[sflag:s6] =	ssyncset.done $0x0  }
.LBB2_1:
0x4f: {  	p0 =	sne.s32 s19, $0x1;
	s19 =	sadd.s32 $0xFFFFFFFF, s19;
	[sflag:s6] =	ssyncadd.s32 $0xFFFFF63C  }
0x50: {  	[spmem:s7], [sflag:s5] =	dma.local [hbm:s4], $0x9C4  }
0x51: {  	_ =	swait.ge [sflag:s6], $0x9C4  }
0x52: {  	[sflag:s6] =	ssyncset.done $0x0  }
0x53: {  	[sflag:s6] =	ssyncadd.s32 $0xFFFFF63C  }
0x54: {  	[bflag:$0x0] =	sbarrier.arrive $0xFFFF  }
0x55: {  	[tilespmem:s3], [sflag:$0x2] =	stream.strided.gather [hbm4b:s8+s9], $0x7D0, s10, s9, $0x38;
	[tilespmem:$0xD2F0] =	vst v63  }
0x56: {  	_ =	swait.ge [sflag:s6], $0x7D0  }
0x57: {  	[sflag:s6] =	ssyncset.done $0x0  }
0x58: {  	[sflag:s6] =	ssyncadd.s32 $0xFFFFF830  }
0x59: {  	[tilespmem:s12], [sflag:$0x1] =	stream.indirect.gather [hbm4b:s11+s9], $0x20, s3, s9, $0xb8;
	[tilespmem:$0xD2F0] =	vst v63  }
0x5a: {  	_ =	swait.ge [sflag:s13], $0x7D00  }
0x5b: {  	[sflag:s13] =	ssyncset.done $0x0  }
0x5c: {  	[sflag:s13] =	ssyncadd.s32 $0xFFFF8300  }
0x5d: {  	[spmem:s2] =	stream.indirect.scatter.add.f32 [tilespmem:s12], [sflag:$0x2], $0x20, s9, s9, $0xb8;
	[tilespmem:$0xD2F0] =	vst v63  }
0x5e: {  	_ =	swait.ge [sflag:s6], $0x7D00  }
0x5f: {  	[sflag:s6] =	ssyncset.done $0x0  }
0x60: {  	[sflag:s6] =	ssyncadd.s32 $0xFFFF8300  }
0x61: {  	[tilespmem:s3], [sflag:$0x2] =	stream.strided.gather [hbm4b:s14+s9], $0x7D0, s10, s9, $0x38;
	[tilespmem:$0xD2F0] =	vst v63  }
0x62: {  	_ =	swait.ge [sflag:s6], $0x7D0  }
0x63: {  	[sflag:s6] =	ssyncset.done $0x0  }
0x64: {  	[sflag:s6] =	ssyncadd.s32 $0xFFFFF830  }
0x65: {  	[tilespmem:s12], [sflag:$0x1] =	stream.indirect.gather [hbm4b:s11+s9], $0x20, s3, s9, $0xb8;
	[tilespmem:$0xD2F0] =	vst v63  }
0x66: {  	_ =	swait.ge [sflag:s13], $0x7D00  }
0x67: {  	[sflag:s13] =	ssyncset.done $0x0  }
0x68: {  	[sflag:s13] =	ssyncadd.s32 $0xFFFF8300  }
0x69: {  	[spmem:s2] =	stream.indirect.scatter.add.f32 [tilespmem:s12], [sflag:$0x2], $0x20, s9, s9, $0xb8;
	[tilespmem:$0xD2F0] =	vst v63  }
0x6a: {  	_ =	swait.ge [sflag:s6], $0x7D00  }
0x6b: {  	[sflag:s6] =	ssyncset.done $0x0  }
0x6c: {  	[sflag:s6] =	ssyncadd.s32 $0xFFFF8300  }
0x6d: {  	[tilespmem:s3], [sflag:$0x2] =	stream.strided.gather [hbm4b:s15+s9], $0x7D0, s10, s9, $0x38;
	[tilespmem:$0xD2F0] =	vst v63  }
0x6e: {  	_ =	swait.ge [sflag:s6], $0x7D0  }
0x6f: {  	[sflag:s6] =	ssyncset.done $0x0  }
0x70: {  	[sflag:s6] =	ssyncadd.s32 $0xFFFFF830  }
0x71: {  	[tilespmem:s12], [sflag:$0x1] =	stream.indirect.gather [hbm4b:s11+s9], $0x20, s3, s9, $0xb8;
	[tilespmem:$0xD2F0] =	vst v63  }
0x72: {  	_ =	swait.ge [sflag:s13], $0x7D00  }
0x73: {  	[sflag:s13] =	ssyncset.done $0x0  }
0x74: {  	[sflag:s13] =	ssyncadd.s32 $0xFFFF8300  }
0x75: {  	[spmem:s2] =	stream.indirect.scatter.add.f32 [tilespmem:s12], [sflag:$0x2], $0x20, s9, s9, $0xb8;
	[tilespmem:$0xD2F0] =	vst v63  }
0x76: {  	_ =	swait.ge [sflag:s6], $0x7D00  }
0x77: {  	[sflag:s6] =	ssyncset.done $0x0  }
0x78: {  	[sflag:s6] =	ssyncadd.s32 $0xFFFF8300  }
0x79: {  	[tilespmem:s3], [sflag:$0x2] =	stream.strided.gather [hbm4b:s16+s9], $0x7D0, s10, s9, $0x38;
	[tilespmem:$0xD2F0] =	vst v63  }
0x7a: {  	_ =	swait.ge [sflag:s6], $0x7D0  }
0x7b: {  	[sflag:s6] =	ssyncset.done $0x0  }
0x7c: {  	[sflag:s6] =	ssyncadd.s32 $0xFFFFF830  }
0x7d: {  	[tilespmem:s12], [sflag:$0x1] =	stream.indirect.gather [hbm4b:s11+s9], $0x20, s3, s9, $0xb8;
	[tilespmem:$0xD2F0] =	vst v63  }
0x7e: {  	_ =	swait.ge [sflag:s13], $0x7D00  }
0x7f: {  	[sflag:s13] =	ssyncset.done $0x0  }
0x80: {  	[sflag:s13] =	ssyncadd.s32 $0xFFFF8300  }
0x81: {  	[spmem:s2] =	stream.indirect.scatter.add.f32 [tilespmem:s12], [sflag:$0x2], $0x20, s9, s9, $0xb8;
	[tilespmem:$0xD2F0] =	vst v63  }
0x82: {  	_ =	swait.ge [sflag:s6], $0x7D00  }
0x83: {  	[sflag:s6] =	ssyncset.done $0x0  }
0x84: {  	[sflag:s6] =	ssyncadd.s32 $0xFFFF8300  }
0x85: {  	[tilespmem:s3], [sflag:$0x2] =	stream.strided.gather [hbm4b:s17+s9], $0x7D0, s10, s9, $0x38;
	[tilespmem:$0xD2F0] =	vst v63  }
0x86: {  	_ =	swait.ge [sflag:s6], $0x7D0  }
0x87: {  	[sflag:s6] =	ssyncset.done $0x0  }
0x88: {  	[sflag:s6] =	ssyncadd.s32 $0xFFFFF830  }
0x89: {  	[tilespmem:s12], [sflag:$0x1] =	stream.indirect.gather [hbm4b:s11+s9], $0x20, s3, s9, $0xb8;
	[tilespmem:$0xD2F0] =	vst v63  }
0x8a: {  	_ =	swait.ge [sflag:s13], $0x7D00  }
0x8b: {  	[sflag:s13] =	ssyncset.done $0x0  }
0x8c: {  	[sflag:s13] =	ssyncadd.s32 $0xFFFF8300  }
0x8d: {  	[spmem:s2] =	stream.indirect.scatter.add.f32 [tilespmem:s12], [sflag:$0x2], $0x20, s9, s9, $0xb8;
	[tilespmem:$0xD2F0] =	vst v63  }
0x8e: {  	_ =	swait.ge [sflag:s6], $0x7D00  }
0x8f: {  	[sflag:s6] =	ssyncset.done $0x0  }
.Ltmp1:
0x90: {  	[sflag:s6] =	ssyncadd.s32 $0xFFFF8300;
	(pc) =	sbr.rel @p0 .LBB2_1-.Ltmp1, $4  }
0x91: {  	[bflag:$0x0] =	sbarrier.arrive $0xFFFF  }
0x92: {  	[hbm:s18], [sflag:s5] =	dma.local [spmem:s7], $0x9C4  }
0x93: {  	_ =	swait.ge [sflag:s6], $0x9C4  }
0x94: {  	[sflag:s6] =	ssyncset.done $0x0  }
.LBB2_2:
0x95: {  	[sflag:s6] =	ssyncadd.s32 $0xFFFFF63C  }
0x96: {  	_ =	sfence.sel $0x180000  }
0x97: {  	[bflag:$0x0] =	sbarrier.arrive $0xFFFF  }
0x98: {  	p0 =	sne.s32 s1, $0x0;
	_ =	strace $0x90000047  }
0x99: {  	s0 =	sadd.s32 @!p0 $0x100000, s0;
	[bflag:$0x2] =	sbarrier.arrive $0xFFFF  }
0x9a: {  	[sflag:s0] =	ssyncadd.tile.s32 @!p0 $0x1;
	_ =	shalt  }
.Lfunc_end2:
_tile_overlayer_lowered:
.L_overlay_start_2:
0x9b: {  	(tag) =	ssettag $0x2  }
0x9c: {  	s0 =	rddreg [dreg:$0x0];
	s2 =	stileid.u32  }
0x9d: {  	s1 =	rddreg [dreg:$0x1];
	p0 =	sne.s32 s2, $0x0  }
0x9e: {  	s3 =	rddreg [dreg:$0x2];
	[bflag:$0x3] =	sbarrier.arrive $0xFFFF;
	s2 =	simm.s32 @!p0 $0x1C02  }
0x9f: {  	[timem:s3], [sflag:s2] =	dma.local @!p0 [hbm:s0], s1  }
0xa0: {  	s0 =	simm.s32 @!p0 $0x2  }
0xa1: {  	_ =	swait.ge @!p0 [sflag:s0], s1  }
0xa2: {  	s1 =	ssub.s32 @!p0 $0x0, s1;
	[sflag:s0] =	ssyncset.done @!p0 $0x0  }
0xa3: {  	[sflag:s0] =	ssyncadd.s32 @!p0 s1  }
0xa4: {  	[bflag:$0x3] =	sbarrier.arrive $0xFFFF  }
0xa5: {  	_ =	shalt  }

// kernel: kernel.14.cloned.1.call-start
scs
__scs_entry_jumppad:
0x0: {  	(pc) =	sbr.rel $0x88, $3  }
0x1: {  	(tag) =	ssettag $0x0;
	lr =	simm.s32 $0x1  }
0x2: {  	[smem:$0x3F91] =	sst lr;
	_ =	strace $0xD0000000  }
0x3: {  	_ = 	snop  }
0x4: {  	_ = 	snop  }
0x5: {  	_ = 	snop  }
0x6: {  	_ = 	snop  }
0x7: {  	_ = 	snop  }
__scs_overlays_trampoline_lowered:
0x8: {  	[smem:$0x3FA0] =	sst s0  }
0x9: {  	[smem:$0x3FA1] =	sst s1  }
0xa: {  	[smem:$0x3FA2] =	sst s2  }
0xb: {  	[smem:$0x3FA3] =	sst s3  }
0xc: {  	[smem:$0x3FA4] =	sst s4  }
0xd: {  	[smem:$0x3FA5] =	sst s5  }
0xe: {  	[smem:$0x3FA6] =	sst s6  }
0xf: {  	[smem:$0x3FA7] =	sst s7  }
0x10: {  	[smem:$0x3FA8] =	sst s8  }
0x11: {  	[smem:$0x3FA9] =	sst s9;
	s0 =	simm.s32 @!p0 $0x0  }
0x12: {  	s1 =	sld [smem:$0x3F8F];
	s0 =	simm.s32 @p0 $0x1  }
0x13: {  	[smem:$0x3FAA] =	sst s0;
	s0 =	simm.s32 @!p1 $0x0  }
0x14: {  	s2 =	sld [smem:$0x3F8E];
	s0 =	simm.s32 @p1 $0x1  }
0x15: {  	[smem:$0x3FAB] =	sst s0;
	s0 =	simm.s32 @!p2 $0x0  }
0x16: {  	s3 =	sld [smem:$0x3FDB];
	s0 =	simm.s32 @p2 $0x1  }
0x17: {  	s4 =	simm.s32 $0x1BF5;
	[smem:$0x3FAD] =	sst s0  }
0x18: {  	s0 =	sld [smem:$0x3F90];
	_ =	swait.ge [sflag:s4], $0x0  }
0x19: {  	s7 =	sld [smem:$0x3F91]  }
0x1a: {  	s8 =	sadd.s32 $0xFFFFE003, lr  }
0x1b: {  	s9 =	sadd.s32 $0xFFFFFEF7, lr;
	s5 =	simm.s32 $0xFFFFFFFF;
	p2 =	slt.u32 s8, $0xFFFFF086  }
0x1c: {  	p1 =	slt.u32 s9, $0xF7A;
	s5 =	simm.s32 @!p2 $0x0  }
0x1d: {  	s5 =	simm.s32 @p1 $0x1;
	p0 =	seq.s32 s7, s2  }
0x1e: {  	s7 =	smul.u32 @!p0 $0xF7A, s2;
	p2 =	seq.s32 @!p0 s5, $0x0  }
0x1f: {  	s9 =	smul.u32 $0xF7A, s1;
	s8 =	simm.s32 @!p0 $0x1BF5;
	p2 =	por !p2, p0  }
0x20: {  	[sflag:s8] =	ssyncset.s32 @!p0 $0xFFFFF086;
	s6 =	sadd.s32 @!p0 s3, s7;
	s7 =	simm.s32 @!p0 $0x108  }
0x21: {  	s3 =	sadd.s32 s3, s9;
	s6 =	sadd.s32 @!p0 $0x88, s6;
	s7 =	simm.s32 @p2 $0x1082  }
0x22: {  	[simem:s7], [sflag:s8] =	dma.local @!p0 [hbm:s6], $0xF7A  }
0x23: {  	s9 =	sor.u32 $0xD0000000, s2;
	s6 =	simm.s32 $0x108;
	_ =	swait.ge @!p0 [sflag:s8], $0x0  }
0x24: {  	s3 =	sadd.s32 $0x88, s3;
	s6 =	simm.s32 @!p1 $0x1082;
	[sflag:s4] =	ssyncset.s32 $0xFFFFF086  }
0x25: {  	[simem:s6], [sflag:s4] =	dma.local [hbm:s3], $0xF7A  }
0x26: {  	[smem:$0x3F91] =	sst s1;
	(tag) =	ssettag s2;
	_ =	strace s9  }
0x27: {  	s1 =	sld [smem:$0x3FA1]  }
0x28: {  	s2 =	sld [smem:$0x3FA2]  }
0x29: {  	s4 =	sld [smem:$0x3FA4]  }
0x2a: {  	p0 =	seq.s32 s5, $0x0;
	s5 =	sld [smem:$0x3FA5]  }
0x2b: {  	s6 =	sld [smem:$0x3FA6]  }
0x2c: {  	s7 =	sld [smem:$0x3FA7]  }
0x2d: {  	s3 =	simm.s32 $0x108;
	s8 =	sld [smem:$0x3FA8]  }
0x2e: {  	s3 =	simm.s32 @!p0 $0x1082;
	s9 =	sld [smem:$0x3FA9]  }
0x2f: {  	lr =	sadd.s32 s0, s3;
	s0 =	sld [smem:$0x3FA0]  }
0x30: {  	s3 =	sld [smem:$0x3FA3]  }
0x31: {  	[smem:$0x3FAC] =	sst s10  }
0x32: {  	s10 =	sld [smem:$0x3FAA];
	_ =	sdelay $0x3  }
0x33: {  	p0 =	seq.s32 s10, $0x1;
	s10 =	sld [smem:$0x3FAC];
	_ =	sdelay $0x3  }
0x34: {  	[smem:$0x3FAC] =	sst s10  }
0x35: {  	s10 =	sld [smem:$0x3FAB];
	_ =	sdelay $0x3  }
0x36: {  	p1 =	seq.s32 s10, $0x1;
	s10 =	sld [smem:$0x3FAC];
	_ =	sdelay $0x3  }
0x37: {  	[smem:$0x3FAC] =	sst s10  }
0x38: {  	s10 =	sld [smem:$0x3FAD]  }
0x39: {  	_ = 	snop;
	(pc) =	sbr.ind lr, $3  }
0x3a: {  	_ = 	snop  }
0x3b: {  	_ = 	snop  }
0x3c: {  	p2 =	seq.s32 s10, $0x1;
	s10 =	sld [smem:$0x3FAC]  }
0x3d: {  	_ =	shalt  }
0x3e: {  	_ =	shalt  }
0x3f: {  	_ =	shalt  }
0x40: {  	_ =	shalt  }
0x41: {  	_ =	shalt  }
0x42: {  	_ =	shalt  }
0x43: {  	_ =	shalt  }
0x44: {  	_ =	shalt  }
0x45: {  	_ =	shalt  }
0x46: {  	_ =	shalt  }
0x47: {  	_ =	shalt  }
0x48: {  	_ =	shalt  }
0x49: {  	_ =	shalt  }
0x4a: {  	_ =	shalt  }
0x4b: {  	_ =	shalt  }
0x4c: {  	_ =	shalt  }
0x4d: {  	_ =	shalt  }
0x4e: {  	_ =	shalt  }
0x4f: {  	_ =	shalt  }
0x50: {  	_ =	shalt  }
0x51: {  	_ =	shalt  }
0x52: {  	_ =	shalt  }
0x53: {  	_ =	shalt  }
0x54: {  	_ =	shalt  }
0x55: {  	_ =	shalt  }
0x56: {  	_ =	shalt  }
0x57: {  	_ =	shalt  }
0x58: {  	_ =	shalt  }
0x59: {  	_ =	shalt  }
0x5a: {  	_ =	shalt  }
0x5b: {  	_ =	shalt  }
0x5c: {  	_ =	shalt  }
0x5d: {  	_ =	shalt  }
0x5e: {  	_ =	shalt  }
0x5f: {  	_ =	shalt  }
0x60: {  	_ =	shalt  }
0x61: {  	_ =	shalt  }
0x62: {  	_ =	shalt  }
0x63: {  	_ =	shalt  }
0x64: {  	_ =	shalt  }
0x65: {  	_ =	shalt  }
0x66: {  	_ =	shalt  }
0x67: {  	_ =	shalt  }
0x68: {  	_ =	shalt  }
0x69: {  	_ =	shalt  }
0x6a: {  	_ =	shalt  }
0x6b: {  	_ =	shalt  }
0x6c: {  	_ =	shalt  }
0x6d: {  	_ =	shalt  }
0x6e: {  	_ =	shalt  }
0x6f: {  	_ =	shalt  }
0x70: {  	_ =	shalt  }
0x71: {  	_ =	shalt  }
0x72: {  	_ =	shalt  }
0x73: {  	_ =	shalt  }
0x74: {  	_ =	shalt  }
0x75: {  	_ =	shalt  }
0x76: {  	_ =	shalt  }
0x77: {  	_ =	shalt  }
0x78: {  	_ =	shalt  }
0x79: {  	_ =	shalt  }
0x7a: {  	_ =	shalt  }
0x7b: {  	_ =	shalt  }
0x7c: {  	_ =	shalt  }
0x7d: {  	_ =	shalt  }
0x7e: {  	_ =	shalt  }
0x7f: {  	_ =	shalt  }
0x80: {  	_ =	shalt  }
0x81: {  	_ =	shalt  }
0x82: {  	_ =	shalt  }
0x83: {  	_ =	shalt  }
0x84: {  	_ =	shalt  }
0x85: {  	_ =	shalt  }
0x86: {  	_ =	shalt  }
0x87: {  	_ =	shalt  }
.Lfunc_end0:
.L_simem_size_0:
called_computation.1_lowered:
.L_overlay_start_0:
0x88: {  	s2 =	sld [smem:$0x3FD9]  }
0x89: {  	s3 =	sld [smem:$0x3FFE];
	_ =	sdelay $0x1  }
0x8a: {  	s1 =	srdreg.scid  }
0x8b: {  	s0 =	sand.u32 $0x1, s1  }
0x8c: {  	s16 =	sshll.u32 s0, $0xA;
	s2 =	sadd.s32 s3, s2  }
0x8d: {  	s2 =	sadd.s32 s2, s16  }
0x8e: {  	[smem:$0x3FB8] =	sst s2  }
0x8f: {  	_ = 	snop  }
0x90: {  	(tm) =	ssettm $0x1  }
0x91: {  	s17 =	sld [smem:$0x3FFB];
	_ =	sdelay $0x3  }
0x92: {  	_ =	strace s17  }
0x93: {  	s2 =	sld [smem:$0x3FFC];
	_ =	sdelay $0x3  }
0x94: {  	_ =	strace s2  }
0x95: {  	s2 =	sld [smem:$0x3FFD];
	_ =	sdelay $0x3  }
0x96: {  	_ =	strace s2  }
0x97: {  	_ =	strace $0x8FFFFFFF  }
0x98: {  	s18 =	sld [smem:$0x3FDB];
	_ =	sdelay $0x1  }
0x99: {  	s19 =	simm.s32 $_scs_section_size  }
0x9a: {  	s4 =	simm.s32 $_size__tile_overlayer_lowered;
	s5 =	simm.s32 $_tile_overlayer_lowered  }
0x9b: {  	s22 =	simm.s32 $0x1BFF;
	s21 =	sshll.u32 s5, $0x1;
	s2 =	sadd.s32 s19, s18  }
0x9c: {  	s6 =	simm.s32 $0x0;
	s20 =	sshll.u32 s4, $0x1;
	s4 =	sadd.s32 s21, s2  }
0x9d: {  	[timem:s6], [sflag:s22] =	dma.local [hbm:s4], s20  }
0x9e: {  	_ =	swait.ge [sflag:s22], s20  }
0x9f: {  	s3 =	ssub.s32 $0x0, s20;
	[sflag:s22] =	ssyncset.done $0x0  }
0xa0: {  	[sflag:s22] =	ssyncadd.s32 s3;
	_ =	sdelay $0x1  }
0xa1: {  	s23 =	simm.s32 $0x1B8B  }
0xa2: {  	_ =	swait.ge [sflag:s23], $0x1  }
0xa3: {  	[sflag:s23] =	ssyncset.done $0x0  }
0xa4: {  	s25 =	simm.s32 $0x1B8E;
	s24 =	sld [smem:$0x3FFE];
	[sflag:s23] =	ssyncadd.s32 $0xFFFFFFFF  }
0xa5: {  	s26 =	simm.s32 $execute0_lowered;
	[smem:$0x3FD2] =	sst s25  }
0xa6: {  	s4 =	sshll.u32 s26, $0x1;
	_ =	strace $0x80000049;
	[dreg:$0x1] =	wrdreg $0xFFFFFFFF  }
0xa7: {  	s28 =	simm.s32 $_size_execute0_lowered;
	s2 =	sadd.s32 s2, s4;
	[dreg:$0x0] =	wrdreg $0x0  }
0xa8: {  	s4 =	sshll.u32 s28, $0x1;
	[dreg:$0x2] =	wrdreg s2  }
0xa9: {  	[dreg:$0x3] =	wrdreg s4  }
0xaa: {  	[dreg:$0x4] =	wrdreg $0xC0  }
0xab: {  	_ =	task [dreg:s6], $0x5FFFF  }
0xac: {  	[dreg:$0x1] =	wrdreg $0xFFFFFFFF  }
0xad: {  	[dreg:$0x0] =	wrdreg $0x60  }
0xae: {  	[dreg:$0x2] =	wrdreg s24  }
0xaf: {  	[dreg:$0x3] =	wrdreg $0x84D00  }
0xb0: {  	[dreg:$0x4] =	wrdreg $0x9  }
0xb1: {  	_ =	task.clear_ibuf [dreg:s6], $0x5FFFF;
	_ =	strace $0x90000049  }
0xb2: {  	s29 =	simm.s32 $0x9;
	_ =	strace $0x8000004B  }
0xb3: {  	_ =	swait.ge [sflag:s29], $0x1  }
0xb4: {  	[sflag:s29] =	ssyncadd.s32 $0xFFFFFFFF  }
0xb5: {  	_ =	strace $0x9000004B  }
0xb6: {  	_ =	sfence  }
0xb7: {  	s30 =	sld [smem:$0x0];
	_ =	sdelay $0x2  }
0xb8: {  	s31 =	sshll.u32 s1, $0xD;
	s1 =	sshrl.u32 s1, $0x2  }
0xb9: {  	s3 =	sand.u32 $0x4000, s31;
	s1 =	sadd.s32 s1, s30  }
0xba: {  	s0 =	sor.u32 s3, s0;
	s1 =	sshll.u32 s1, $0x11  }
0xbb: {  	s0 =	sor.u32 s1, s0  }
0xbc: {  	s0 =	sadd.s32 $0x8F2B, s0  }
0xbd: {  	[sflag:s0] =	ssyncadd.remote.s32 $0x1  }
0xbe: {  	_ =	sfence.sel $0xFFFF  }
0xbf: {  	[dreg:$0x0] =	wrdreg $0xFFFFFFFF;
	(pc) =	sbr.abs _section_cstart, $3  }
0xc0: {  	[dreg:$0x1] =	wrdreg $0xFFFFFFFF  }
0xc1: {  	_ =	task.clear_ibuf [dreg:s6], $0x2FFFF;
	_ =	strace $0x9FFFFFFF  }
0xc2: {  	(tm) =	ssettm $0x7FFFFFFF  }
0xc3: {  	_ =	shalt  }
tec
execute0_lowered:
.L_overlay_start_1:
0x0: {  	(tag) =	ssettag $0x1  }
0x1: {  	s18 =	rddreg [dreg:$0x0]  }
0x2: {  	s2 =	rddreg [dreg:$0x1]  }
0x3: {  	s0 =	rddreg [dreg:$0x2]  }
0x4: {  	s1 =	stileid.u32;
	s4 =	srdreg.scid;
	s3 =	simm.s32 $0x0  }
0x5: {  	s5 =	smul.u32 $0x4E20, s1;
	s19 =	sand.u32 $0x1, s4;
	s26 =	sshll.u32 s1, $0x1  }
0x6: {  	[smem:$0x7FF] =	sst s3;
	s30 =	sshll.u32 s1, $0x6;
	s4 =	sor.u32 s19, s26  }
0x7: {  	_ =	strace $0x8000004A;
	s6 =	sshrl.u32 s5, $0x3;
	s8 =	smul.u32 $0x7D, s4  }
0x8: {  	s29 =	sadd.s32 s5, s2;
	s5 =	sor.u32 $0x1C02, s30;
	s28 =	sadd.s32 s6, s18  }
0x9: {  	s7 =	sshrl.u32 s29, $0x3;
	s6 =	simm.s32 $0x2;
	s4 =	sadd.s32 $0x3F200, s28  }
0xa: {  	[spmem:s7], [sflag:s5] =	dma.local [hbm:s4], $0x9C4  }
0xb: {  	_ =	swait.ge [sflag:s6], $0x9C4  }
0xc: {  	[sflag:s6] =	ssyncset.done $0x0  }
0xd: {  	s9 =	simm.s32 $0x3E8;
	s17 =	sadd.s32 s8, s18;
	[sflag:s6] =	ssyncadd.s32 $0xFFFFF63C  }
0xe: {  	s10 =	simm.s32 $0x27100;
	s8 =	sadd.s32 $0x35400, s17;
	[bflag:$0x0] =	sbarrier.arrive $0xFFFF  }
0xf: {  	[tilespmem:s3], [sflag:$0x2] =	stream.strided.gather [hbm4b:s8+s9], $0x7D0, s10, s9, $0x38;
	[tilespmem:$0xD2F0] =	vst v63  }
0x10: {  	_ =	swait.ge [sflag:s6], $0x7D0  }
0x11: {  	s12 =	simm.s32 $0x7D0;
	[sflag:s6] =	ssyncset.done $0x0  }
0x12: {  	s13 =	simm.s32 $0x1;
	s11 =	sadd.s32 $0x2B600, s18;
	[sflag:s6] =	ssyncadd.s32 $0xFFFFF830  }
0x13: {  	[tilespmem:s12], [sflag:$0x1] =	stream.indirect.gather [hbm4b:s11+s9], $0x20, s3, s9, $0xb8;
	[tilespmem:$0xD2F0] =	vst v63  }
0x14: {  	_ =	swait.ge [sflag:s13], $0x7D00  }
0x15: {  	[sflag:s13] =	ssyncset.done $0x0  }
0x16: {  	[sflag:s13] =	ssyncadd.s32 $0xFFFF8300  }
0x17: {  	[spmem:s2] =	stream.indirect.scatter.add.f32 [tilespmem:s12], [sflag:$0x2], $0x20, s9, s9, $0xb8;
	[tilespmem:$0xD2F0] =	vst v63  }
0x18: {  	_ =	swait.ge [sflag:s6], $0x7D00  }
0x19: {  	[sflag:s6] =	ssyncset.done $0x0  }
0x1a: {  	s14 =	sadd.s32 $0x363A0, s17;
	[sflag:s6] =	ssyncadd.s32 $0xFFFF8300  }
0x1b: {  	[tilespmem:s3], [sflag:$0x2] =	stream.strided.gather [hbm4b:s14+s9], $0x7D0, s10, s9, $0x38;
	[tilespmem:$0xD2F0] =	vst v63  }
0x1c: {  	_ =	swait.ge [sflag:s6], $0x7D0  }
0x1d: {  	[sflag:s6] =	ssyncset.done $0x0  }
0x1e: {  	[sflag:s6] =	ssyncadd.s32 $0xFFFFF830  }
0x1f: {  	[tilespmem:s12], [sflag:$0x1] =	stream.indirect.gather [hbm4b:s11+s9], $0x20, s3, s9, $0xb8;
	[tilespmem:$0xD2F0] =	vst v63  }
0x20: {  	_ =	swait.ge [sflag:s13], $0x7D00  }
0x21: {  	[sflag:s13] =	ssyncset.done $0x0  }
0x22: {  	[sflag:s13] =	ssyncadd.s32 $0xFFFF8300  }
0x23: {  	[spmem:s2] =	stream.indirect.scatter.add.f32 [tilespmem:s12], [sflag:$0x2], $0x20, s9, s9, $0xb8;
	[tilespmem:$0xD2F0] =	vst v63  }
0x24: {  	_ =	swait.ge [sflag:s6], $0x7D00  }
0x25: {  	[sflag:s6] =	ssyncset.done $0x0  }
0x26: {  	s15 =	sadd.s32 $0x37340, s17;
	[sflag:s6] =	ssyncadd.s32 $0xFFFF8300  }
0x27: {  	[tilespmem:s3], [sflag:$0x2] =	stream.strided.gather [hbm4b:s15+s9], $0x7D0, s10, s9, $0x38;
	[tilespmem:$0xD2F0] =	vst v63  }
0x28: {  	_ =	swait.ge [sflag:s6], $0x7D0  }
0x29: {  	[sflag:s6] =	ssyncset.done $0x0  }
0x2a: {  	[sflag:s6] =	ssyncadd.s32 $0xFFFFF830  }
0x2b: {  	[tilespmem:s12], [sflag:$0x1] =	stream.indirect.gather [hbm4b:s11+s9], $0x20, s3, s9, $0xb8;
	[tilespmem:$0xD2F0] =	vst v63  }
0x2c: {  	_ =	swait.ge [sflag:s13], $0x7D00  }
0x2d: {  	[sflag:s13] =	ssyncset.done $0x0  }
0x2e: {  	[sflag:s13] =	ssyncadd.s32 $0xFFFF8300  }
0x2f: {  	[spmem:s2] =	stream.indirect.scatter.add.f32 [tilespmem:s12], [sflag:$0x2], $0x20, s9, s9, $0xb8;
	[tilespmem:$0xD2F0] =	vst v63  }
0x30: {  	_ =	swait.ge [sflag:s6], $0x7D00  }
0x31: {  	[sflag:s6] =	ssyncset.done $0x0  }
0x32: {  	s16 =	sadd.s32 $0x382E0, s17;
	[sflag:s6] =	ssyncadd.s32 $0xFFFF8300  }
0x33: {  	[tilespmem:s3], [sflag:$0x2] =	stream.strided.gather [hbm4b:s16+s9], $0x7D0, s10, s9, $0x38;
	[tilespmem:$0xD2F0] =	vst v63  }
0x34: {  	_ =	swait.ge [sflag:s6], $0x7D0  }
0x35: {  	[sflag:s6] =	ssyncset.done $0x0  }
0x36: {  	[sflag:s6] =	ssyncadd.s32 $0xFFFFF830  }
0x37: {  	[tilespmem:s12], [sflag:$0x1] =	stream.indirect.gather [hbm4b:s11+s9], $0x20, s3, s9, $0xb8;
	[tilespmem:$0xD2F0] =	vst v63  }
0x38: {  	_ =	swait.ge [sflag:s13], $0x7D00  }
0x39: {  	[sflag:s13] =	ssyncset.done $0x0  }
0x3a: {  	[sflag:s13] =	ssyncadd.s32 $0xFFFF8300  }
0x3b: {  	[spmem:s2] =	stream.indirect.scatter.add.f32 [tilespmem:s12], [sflag:$0x2], $0x20, s9, s9, $0xb8;
	[tilespmem:$0xD2F0] =	vst v63  }
0x3c: {  	_ =	swait.ge [sflag:s6], $0x7D00  }
0x3d: {  	[sflag:s6] =	ssyncset.done $0x0  }
0x3e: {  	s17 =	sadd.s32 $0x39280, s17;
	[sflag:s6] =	ssyncadd.s32 $0xFFFF8300  }
0x3f: {  	[tilespmem:s3], [sflag:$0x2] =	stream.strided.gather [hbm4b:s17+s9], $0x7D0, s10, s9, $0x38;
	[tilespmem:$0xD2F0] =	vst v63  }
0x40: {  	_ =	swait.ge [sflag:s6], $0x7D0  }
0x41: {  	[sflag:s6] =	ssyncset.done $0x0  }
0x42: {  	[sflag:s6] =	ssyncadd.s32 $0xFFFFF830  }
0x43: {  	[tilespmem:s12], [sflag:$0x1] =	stream.indirect.gather [hbm4b:s11+s9], $0x20, s3, s9, $0xb8;
	[tilespmem:$0xD2F0] =	vst v63  }
0x44: {  	s21 =	smul.u32 $0x9C40, s19;
	s19 =	ssub.s32 $0x2, s19;
	_ =	swait.ge [sflag:s13], $0x7D00  }
0x45: {  	s31 =	sshrl.u32 s19, $0x1;
	[sflag:s13] =	ssyncset.done $0x0  }
0x46: {  	s20 =	smul.u32 $0x9C4, s1;
	s19 =	ssub.s32 s19, s31;
	[sflag:s13] =	ssyncadd.s32 $0xFFFF8300  }
0x47: {  	[spmem:s2] =	stream.indirect.scatter.add.f32 [tilespmem:s12], [sflag:$0x2], $0x20, s9, s9, $0xb8;
	[tilespmem:$0xD2F0] =	vst v63  }
0x48: {  	s19 =	smax.u32 s19, $0x1;
	_ =	swait.ge [sflag:s6], $0x7D00  }
0x49: {  	s20 =	sadd.s32 s20, s21;
	p0 =	sne.s32 s19, $0x1;
	[sflag:s6] =	ssyncset.done $0x0  }
.Ltmp0:
0x4a: {  	s18 =	sadd.s32 s20, s18;
	[sflag:s6] =	ssyncadd.s32 $0xFFFF8300;
	(pc) =	sbr.rel @!p0 .LBB2_2-.Ltmp0, $4  }
0x4b: {  	s18 =	sadd.s32 $0x49000, s18;
	[bflag:$0x0] =	sbarrier.arrive $0xFFFF  }
0x4c: {  	[hbm:s18], [sflag:s5] =	dma.local [spmem:s7], $0x9C4  }
0x4d: {  	_ =	swait.ge [sflag:s6], $0x9C4  }
0x4e: {  	s19 =	sadd.s32 $0xFFFFFFFF, s19;
	[sflag:s6] =	ssyncset.done $0x0  }
.LBB2_1:
0x4f: {  	p0 =	sne.s32 s19, $0x1;
	s19 =	sadd.s32 $0xFFFFFFFF, s19;
	[sflag:s6] =	ssyncadd.s32 $0xFFFFF63C  }
0x50: {  	[spmem:s7], [sflag:s5] =	dma.local [hbm:s4], $0x9C4  }
0x51: {  	_ =	swait.ge [sflag:s6], $0x9C4  }
0x52: {  	[sflag:s6] =	ssyncset.done $0x0  }
0x53: {  	[sflag:s6] =	ssyncadd.s32 $0xFFFFF63C  }
0x54: {  	[bflag:$0x0] =	sbarrier.arrive $0xFFFF  }
0x55: {  	[tilespmem:s3], [sflag:$0x2] =	stream.strided.gather [hbm4b:s8+s9], $0x7D0, s10, s9, $0x38;
	[tilespmem:$0xD2F0] =	vst v63  }
0x56: {  	_ =	swait.ge [sflag:s6], $0x7D0  }
0x57: {  	[sflag:s6] =	ssyncset.done $0x0  }
0x58: {  	[sflag:s6] =	ssyncadd.s32 $0xFFFFF830  }
0x59: {  	[tilespmem:s12], [sflag:$0x1] =	stream.indirect.gather [hbm4b:s11+s9], $0x20, s3, s9, $0xb8;
	[tilespmem:$0xD2F0] =	vst v63  }
0x5a: {  	_ =	swait.ge [sflag:s13], $0x7D00  }
0x5b: {  	[sflag:s13] =	ssyncset.done $0x0  }
0x5c: {  	[sflag:s13] =	ssyncadd.s32 $0xFFFF8300  }
0x5d: {  	[spmem:s2] =	stream.indirect.scatter.add.f32 [tilespmem:s12], [sflag:$0x2], $0x20, s9, s9, $0xb8;
	[tilespmem:$0xD2F0] =	vst v63  }
0x5e: {  	_ =	swait.ge [sflag:s6], $0x7D00  }
0x5f: {  	[sflag:s6] =	ssyncset.done $0x0  }
0x60: {  	[sflag:s6] =	ssyncadd.s32 $0xFFFF8300  }
0x61: {  	[tilespmem:s3], [sflag:$0x2] =	stream.strided.gather [hbm4b:s14+s9], $0x7D0, s10, s9, $0x38;
	[tilespmem:$0xD2F0] =	vst v63  }
0x62: {  	_ =	swait.ge [sflag:s6], $0x7D0  }
0x63: {  	[sflag:s6] =	ssyncset.done $0x0  }
0x64: {  	[sflag:s6] =	ssyncadd.s32 $0xFFFFF830  }
0x65: {  	[tilespmem:s12], [sflag:$0x1] =	stream.indirect.gather [hbm4b:s11+s9], $0x20, s3, s9, $0xb8;
	[tilespmem:$0xD2F0] =	vst v63  }
0x66: {  	_ =	swait.ge [sflag:s13], $0x7D00  }
0x67: {  	[sflag:s13] =	ssyncset.done $0x0  }
0x68: {  	[sflag:s13] =	ssyncadd.s32 $0xFFFF8300  }
0x69: {  	[spmem:s2] =	stream.indirect.scatter.add.f32 [tilespmem:s12], [sflag:$0x2], $0x20, s9, s9, $0xb8;
	[tilespmem:$0xD2F0] =	vst v63  }
0x6a: {  	_ =	swait.ge [sflag:s6], $0x7D00  }
0x6b: {  	[sflag:s6] =	ssyncset.done $0x0  }
0x6c: {  	[sflag:s6] =	ssyncadd.s32 $0xFFFF8300  }
0x6d: {  	[tilespmem:s3], [sflag:$0x2] =	stream.strided.gather [hbm4b:s15+s9], $0x7D0, s10, s9, $0x38;
	[tilespmem:$0xD2F0] =	vst v63  }
0x6e: {  	_ =	swait.ge [sflag:s6], $0x7D0  }
0x6f: {  	[sflag:s6] =	ssyncset.done $0x0  }
0x70: {  	[sflag:s6] =	ssyncadd.s32 $0xFFFFF830  }
0x71: {  	[tilespmem:s12], [sflag:$0x1] =	stream.indirect.gather [hbm4b:s11+s9], $0x20, s3, s9, $0xb8;
	[tilespmem:$0xD2F0] =	vst v63  }
0x72: {  	_ =	swait.ge [sflag:s13], $0x7D00  }
0x73: {  	[sflag:s13] =	ssyncset.done $0x0  }
0x74: {  	[sflag:s13] =	ssyncadd.s32 $0xFFFF8300  }
0x75: {  	[spmem:s2] =	stream.indirect.scatter.add.f32 [tilespmem:s12], [sflag:$0x2], $0x20, s9, s9, $0xb8;
	[tilespmem:$0xD2F0] =	vst v63  }
0x76: {  	_ =	swait.ge [sflag:s6], $0x7D00  }
0x77: {  	[sflag:s6] =	ssyncset.done $0x0  }
0x78: {  	[sflag:s6] =	ssyncadd.s32 $0xFFFF8300  }
0x79: {  	[tilespmem:s3], [sflag:$0x2] =	stream.strided.gather [hbm4b:s16+s9], $0x7D0, s10, s9, $0x38;
	[tilespmem:$0xD2F0] =	vst v63  }
0x7a: {  	_ =	swait.ge [sflag:s6], $0x7D0  }
0x7b: {  	[sflag:s6] =	ssyncset.done $0x0  }
0x7c: {  	[sflag:s6] =	ssyncadd.s32 $0xFFFFF830  }
0x7d: {  	[tilespmem:s12], [sflag:$0x1] =	stream.indirect.gather [hbm4b:s11+s9], $0x20, s3, s9, $0xb8;
	[tilespmem:$0xD2F0] =	vst v63  }
0x7e: {  	_ =	swait.ge [sflag:s13], $0x7D00  }
0x7f: {  	[sflag:s13] =	ssyncset.done $0x0  }
0x80: {  	[sflag:s13] =	ssyncadd.s32 $0xFFFF8300  }
0x81: {  	[spmem:s2] =	stream.indirect.scatter.add.f32 [tilespmem:s12], [sflag:$0x2], $0x20, s9, s9, $0xb8;
	[tilespmem:$0xD2F0] =	vst v63  }
0x82: {  	_ =	swait.ge [sflag:s6], $0x7D00  }
0x83: {  	[sflag:s6] =	ssyncset.done $0x0  }
0x84: {  	[sflag:s6] =	ssyncadd.s32 $0xFFFF8300  }
0x85: {  	[tilespmem:s3], [sflag:$0x2] =	stream.strided.gather [hbm4b:s17+s9], $0x7D0, s10, s9, $0x38;
	[tilespmem:$0xD2F0] =	vst v63  }
0x86: {  	_ =	swait.ge [sflag:s6], $0x7D0  }
0x87: {  	[sflag:s6] =	ssyncset.done $0x0  }
0x88: {  	[sflag:s6] =	ssyncadd.s32 $0xFFFFF830  }
0x89: {  	[tilespmem:s12], [sflag:$0x1] =	stream.indirect.gather [hbm4b:s11+s9], $0x20, s3, s9, $0xb8;
	[tilespmem:$0xD2F0] =	vst v63  }
0x8a: {  	_ =	swait.ge [sflag:s13], $0x7D00  }
0x8b: {  	[sflag:s13] =	ssyncset.done $0x0  }
0x8c: {  	[sflag:s13] =	ssyncadd.s32 $0xFFFF8300  }
0x8d: {  	[spmem:s2] =	stream.indirect.scatter.add.f32 [tilespmem:s12], [sflag:$0x2], $0x20, s9, s9, $0xb8;
	[tilespmem:$0xD2F0] =	vst v63  }
0x8e: {  	_ =	swait.ge [sflag:s6], $0x7D00  }
0x8f: {  	[sflag:s6] =	ssyncset.done $0x0  }
.Ltmp1:
0x90: {  	[sflag:s6] =	ssyncadd.s32 $0xFFFF8300;
	(pc) =	sbr.rel @p0 .LBB2_1-.Ltmp1, $4  }
0x91: {  	[bflag:$0x0] =	sbarrier.arrive $0xFFFF  }
0x92: {  	[hbm:s18], [sflag:s5] =	dma.local [spmem:s7], $0x9C4  }
0x93: {  	_ =	swait.ge [sflag:s6], $0x9C4  }
0x94: {  	[sflag:s6] =	ssyncset.done $0x0  }
.LBB2_2:
0x95: {  	[sflag:s6] =	ssyncadd.s32 $0xFFFFF63C  }
0x96: {  	_ =	sfence.sel $0x180000  }
0x97: {  	[bflag:$0x0] =	sbarrier.arrive $0xFFFF  }
0x98: {  	p0 =	sne.s32 s1, $0x0;
	_ =	strace $0x9000004A  }
0x99: {  	s0 =	sadd.s32 @!p0 $0x100000, s0;
	[bflag:$0x2] =	sbarrier.arrive $0xFFFF  }
0x9a: {  	[sflag:s0] =	ssyncadd.tile.s32 @!p0 $0x1;
	_ =	shalt  }
.Lfunc_end2:
_tile_overlayer_lowered:
.L_overlay_start_2:
0x9b: {  	(tag) =	ssettag $0x2  }
0x9c: {  	s0 =	rddreg [dreg:$0x0];
	s2 =	stileid.u32  }
0x9d: {  	s1 =	rddreg [dreg:$0x1];
	p0 =	sne.s32 s2, $0x0  }
0x9e: {  	s3 =	rddreg [dreg:$0x2];
	[bflag:$0x3] =	sbarrier.arrive $0xFFFF;
	s2 =	simm.s32 @!p0 $0x1C02  }
0x9f: {  	[timem:s3], [sflag:s2] =	dma.local @!p0 [hbm:s0], s1  }
0xa0: {  	s0 =	simm.s32 @!p0 $0x2  }
0xa1: {  	_ =	swait.ge @!p0 [sflag:s0], s1  }
0xa2: {  	s1 =	ssub.s32 @!p0 $0x0, s1;
	[sflag:s0] =	ssyncset.done @!p0 $0x0  }
0xa3: {  	[sflag:s0] =	ssyncadd.s32 @!p0 s1  }
0xa4: {  	[bflag:$0x3] =	sbarrier.arrive $0xFFFF  }
0xa5: {  	_ =	shalt  }

// kernel: kernel.17.cloned.1.call-start
scs
__scs_entry_jumppad:
0x0: {  	(pc) =	sbr.rel $0x88, $3  }
0x1: {  	(tag) =	ssettag $0x0;
	lr =	simm.s32 $0x1  }
0x2: {  	[smem:$0x3F91] =	sst lr;
	_ =	strace $0xD0000000  }
0x3: {  	_ = 	snop  }
0x4: {  	_ = 	snop  }
0x5: {  	_ = 	snop  }
0x6: {  	_ = 	snop  }
0x7: {  	_ = 	snop  }
__scs_overlays_trampoline_lowered:
0x8: {  	[smem:$0x3FA0] =	sst s0  }
0x9: {  	[smem:$0x3FA1] =	sst s1  }
0xa: {  	[smem:$0x3FA2] =	sst s2  }
0xb: {  	[smem:$0x3FA3] =	sst s3  }
0xc: {  	[smem:$0x3FA4] =	sst s4  }
0xd: {  	[smem:$0x3FA5] =	sst s5  }
0xe: {  	[smem:$0x3FA6] =	sst s6  }
0xf: {  	[smem:$0x3FA7] =	sst s7  }
0x10: {  	[smem:$0x3FA8] =	sst s8  }
0x11: {  	[smem:$0x3FA9] =	sst s9;
	s0 =	simm.s32 @!p0 $0x0  }
0x12: {  	s1 =	sld [smem:$0x3F8F];
	s0 =	simm.s32 @p0 $0x1  }
0x13: {  	[smem:$0x3FAA] =	sst s0;
	s0 =	simm.s32 @!p1 $0x0  }
0x14: {  	s2 =	sld [smem:$0x3F8E];
	s0 =	simm.s32 @p1 $0x1  }
0x15: {  	[smem:$0x3FAB] =	sst s0;
	s0 =	simm.s32 @!p2 $0x0  }
0x16: {  	s3 =	sld [smem:$0x3FDB];
	s0 =	simm.s32 @p2 $0x1  }
0x17: {  	s4 =	simm.s32 $0x1BF5;
	[smem:$0x3FAD] =	sst s0  }
0x18: {  	s0 =	sld [smem:$0x3F90];
	_ =	swait.ge [sflag:s4], $0x0  }
0x19: {  	s7 =	sld [smem:$0x3F91]  }
0x1a: {  	s8 =	sadd.s32 $0xFFFFE003, lr  }
0x1b: {  	s9 =	sadd.s32 $0xFFFFFEF7, lr;
	s5 =	simm.s32 $0xFFFFFFFF;
	p2 =	slt.u32 s8, $0xFFFFF086  }
0x1c: {  	p1 =	slt.u32 s9, $0xF7A;
	s5 =	simm.s32 @!p2 $0x0  }
0x1d: {  	s5 =	simm.s32 @p1 $0x1;
	p0 =	seq.s32 s7, s2  }
0x1e: {  	s7 =	smul.u32 @!p0 $0xF7A, s2;
	p2 =	seq.s32 @!p0 s5, $0x0  }
0x1f: {  	s9 =	smul.u32 $0xF7A, s1;
	s8 =	simm.s32 @!p0 $0x1BF5;
	p2 =	por !p2, p0  }
0x20: {  	[sflag:s8] =	ssyncset.s32 @!p0 $0xFFFFF086;
	s6 =	sadd.s32 @!p0 s3, s7;
	s7 =	simm.s32 @!p0 $0x108  }
0x21: {  	s3 =	sadd.s32 s3, s9;
	s6 =	sadd.s32 @!p0 $0x88, s6;
	s7 =	simm.s32 @p2 $0x1082  }
0x22: {  	[simem:s7], [sflag:s8] =	dma.local @!p0 [hbm:s6], $0xF7A  }
0x23: {  	s9 =	sor.u32 $0xD0000000, s2;
	s6 =	simm.s32 $0x108;
	_ =	swait.ge @!p0 [sflag:s8], $0x0  }
0x24: {  	s3 =	sadd.s32 $0x88, s3;
	s6 =	simm.s32 @!p1 $0x1082;
	[sflag:s4] =	ssyncset.s32 $0xFFFFF086  }
0x25: {  	[simem:s6], [sflag:s4] =	dma.local [hbm:s3], $0xF7A  }
0x26: {  	[smem:$0x3F91] =	sst s1;
	(tag) =	ssettag s2;
	_ =	strace s9  }
0x27: {  	s1 =	sld [smem:$0x3FA1]  }
0x28: {  	s2 =	sld [smem:$0x3FA2]  }
0x29: {  	s4 =	sld [smem:$0x3FA4]  }
0x2a: {  	p0 =	seq.s32 s5, $0x0;
	s5 =	sld [smem:$0x3FA5]  }
0x2b: {  	s6 =	sld [smem:$0x3FA6]  }
0x2c: {  	s7 =	sld [smem:$0x3FA7]  }
0x2d: {  	s3 =	simm.s32 $0x108;
	s8 =	sld [smem:$0x3FA8]  }
0x2e: {  	s3 =	simm.s32 @!p0 $0x1082;
	s9 =	sld [smem:$0x3FA9]  }
0x2f: {  	lr =	sadd.s32 s0, s3;
	s0 =	sld [smem:$0x3FA0]  }
0x30: {  	s3 =	sld [smem:$0x3FA3]  }
0x31: {  	[smem:$0x3FAC] =	sst s10  }
0x32: {  	s10 =	sld [smem:$0x3FAA];
	_ =	sdelay $0x3  }
0x33: {  	p0 =	seq.s32 s10, $0x1;
	s10 =	sld [smem:$0x3FAC];
	_ =	sdelay $0x3  }
0x34: {  	[smem:$0x3FAC] =	sst s10  }
0x35: {  	s10 =	sld [smem:$0x3FAB];
	_ =	sdelay $0x3  }
0x36: {  	p1 =	seq.s32 s10, $0x1;
	s10 =	sld [smem:$0x3FAC];
	_ =	sdelay $0x3  }
0x37: {  	[smem:$0x3FAC] =	sst s10  }
0x38: {  	s10 =	sld [smem:$0x3FAD]  }
0x39: {  	_ = 	snop;
	(pc) =	sbr.ind lr, $3  }
0x3a: {  	_ = 	snop  }
0x3b: {  	_ = 	snop  }
0x3c: {  	p2 =	seq.s32 s10, $0x1;
	s10 =	sld [smem:$0x3FAC]  }
0x3d: {  	_ =	shalt  }
0x3e: {  	_ =	shalt  }
0x3f: {  	_ =	shalt  }
0x40: {  	_ =	shalt  }
0x41: {  	_ =	shalt  }
0x42: {  	_ =	shalt  }
0x43: {  	_ =	shalt  }
0x44: {  	_ =	shalt  }
0x45: {  	_ =	shalt  }
0x46: {  	_ =	shalt  }
0x47: {  	_ =	shalt  }
0x48: {  	_ =	shalt  }
0x49: {  	_ =	shalt  }
0x4a: {  	_ =	shalt  }
0x4b: {  	_ =	shalt  }
0x4c: {  	_ =	shalt  }
0x4d: {  	_ =	shalt  }
0x4e: {  	_ =	shalt  }
0x4f: {  	_ =	shalt  }
0x50: {  	_ =	shalt  }
0x51: {  	_ =	shalt  }
0x52: {  	_ =	shalt  }
0x53: {  	_ =	shalt  }
0x54: {  	_ =	shalt  }
0x55: {  	_ =	shalt  }
0x56: {  	_ =	shalt  }
0x57: {  	_ =	shalt  }
0x58: {  	_ =	shalt  }
0x59: {  	_ =	shalt  }
0x5a: {  	_ =	shalt  }
0x5b: {  	_ =	shalt  }
0x5c: {  	_ =	shalt  }
0x5d: {  	_ =	shalt  }
0x5e: {  	_ =	shalt  }
0x5f: {  	_ =	shalt  }
0x60: {  	_ =	shalt  }
0x61: {  	_ =	shalt  }
0x62: {  	_ =	shalt  }
0x63: {  	_ =	shalt  }
0x64: {  	_ =	shalt  }
0x65: {  	_ =	shalt  }
0x66: {  	_ =	shalt  }
0x67: {  	_ =	shalt  }
0x68: {  	_ =	shalt  }
0x69: {  	_ =	shalt  }
0x6a: {  	_ =	shalt  }
0x6b: {  	_ =	shalt  }
0x6c: {  	_ =	shalt  }
0x6d: {  	_ =	shalt  }
0x6e: {  	_ =	shalt  }
0x6f: {  	_ =	shalt  }
0x70: {  	_ =	shalt  }
0x71: {  	_ =	shalt  }
0x72: {  	_ =	shalt  }
0x73: {  	_ =	shalt  }
0x74: {  	_ =	shalt  }
0x75: {  	_ =	shalt  }
0x76: {  	_ =	shalt  }
0x77: {  	_ =	shalt  }
0x78: {  	_ =	shalt  }
0x79: {  	_ =	shalt  }
0x7a: {  	_ =	shalt  }
0x7b: {  	_ =	shalt  }
0x7c: {  	_ =	shalt  }
0x7d: {  	_ =	shalt  }
0x7e: {  	_ =	shalt  }
0x7f: {  	_ =	shalt  }
0x80: {  	_ =	shalt  }
0x81: {  	_ =	shalt  }
0x82: {  	_ =	shalt  }
0x83: {  	_ =	shalt  }
0x84: {  	_ =	shalt  }
0x85: {  	_ =	shalt  }
0x86: {  	_ =	shalt  }
0x87: {  	_ =	shalt  }
.Lfunc_end0:
.L_simem_size_0:
called_computation.2_lowered:
.L_overlay_start_0:
0x88: {  	s2 =	sld [smem:$0x3FD9]  }
0x89: {  	s3 =	sld [smem:$0x3FFE];
	_ =	sdelay $0x1  }
0x8a: {  	s1 =	srdreg.scid  }
0x8b: {  	s0 =	sand.u32 $0x1, s1  }
0x8c: {  	s16 =	sshll.u32 s0, $0xA;
	s2 =	sadd.s32 s3, s2  }
0x8d: {  	s2 =	sadd.s32 s2, s16  }
0x8e: {  	[smem:$0x3FB8] =	sst s2  }
0x8f: {  	_ = 	snop  }
0x90: {  	(tm) =	ssettm $0x1  }
0x91: {  	s17 =	sld [smem:$0x3FFB];
	_ =	sdelay $0x3  }
0x92: {  	_ =	strace s17  }
0x93: {  	s2 =	sld [smem:$0x3FFC];
	_ =	sdelay $0x3  }
0x94: {  	_ =	strace s2  }
0x95: {  	s2 =	sld [smem:$0x3FFD];
	_ =	sdelay $0x3  }
0x96: {  	_ =	strace s2  }
0x97: {  	_ =	strace $0x8FFFFFFF  }
0x98: {  	s18 =	sld [smem:$0x3FDB];
	_ =	sdelay $0x1  }
0x99: {  	s19 =	simm.s32 $_scs_section_size  }
0x9a: {  	s4 =	simm.s32 $_size__tile_overlayer_lowered;
	s5 =	simm.s32 $_tile_overlayer_lowered  }
0x9b: {  	s22 =	simm.s32 $0x1BFF;
	s21 =	sshll.u32 s5, $0x1;
	s2 =	sadd.s32 s19, s18  }
0x9c: {  	s6 =	simm.s32 $0x0;
	s20 =	sshll.u32 s4, $0x1;
	s4 =	sadd.s32 s21, s2  }
0x9d: {  	[timem:s6], [sflag:s22] =	dma.local [hbm:s4], s20  }
0x9e: {  	_ =	swait.ge [sflag:s22], s20  }
0x9f: {  	s3 =	ssub.s32 $0x0, s20;
	[sflag:s22] =	ssyncset.done $0x0  }
0xa0: {  	[sflag:s22] =	ssyncadd.s32 s3;
	_ =	sdelay $0x1  }
0xa1: {  	s23 =	simm.s32 $0x1B8B  }
0xa2: {  	_ =	swait.ge [sflag:s23], $0x1  }
0xa3: {  	[sflag:s23] =	ssyncset.done $0x0  }
0xa4: {  	s25 =	simm.s32 $0x1B8E;
	s24 =	sld [smem:$0x3FFE];
	[sflag:s23] =	ssyncadd.s32 $0xFFFFFFFF  }
0xa5: {  	s26 =	simm.s32 $execute0_lowered;
	[smem:$0x3FD2] =	sst s25  }
0xa6: {  	s4 =	sshll.u32 s26, $0x1;
	_ =	strace $0x8000004C;
	[dreg:$0x1] =	wrdreg $0xFFFFFFFF  }
0xa7: {  	s28 =	simm.s32 $_size_execute0_lowered;
	s2 =	sadd.s32 s2, s4;
	[dreg:$0x0] =	wrdreg $0x0  }
0xa8: {  	s4 =	sshll.u32 s28, $0x1;
	[dreg:$0x2] =	wrdreg s2  }
0xa9: {  	[dreg:$0x3] =	wrdreg s4  }
0xaa: {  	[dreg:$0x4] =	wrdreg $0xC0  }
0xab: {  	_ =	task [dreg:s6], $0x5FFFF  }
0xac: {  	[dreg:$0x1] =	wrdreg $0xFFFFFFFF  }
0xad: {  	[dreg:$0x0] =	wrdreg $0x60  }
0xae: {  	[dreg:$0x2] =	wrdreg s24  }
0xaf: {  	[dreg:$0x3] =	wrdreg $0x84D00  }
0xb0: {  	[dreg:$0x4] =	wrdreg $0x9  }
0xb1: {  	_ =	task.clear_ibuf [dreg:s6], $0x5FFFF;
	_ =	strace $0x9000004C  }
0xb2: {  	s29 =	simm.s32 $0x9;
	_ =	strace $0x8000004E  }
0xb3: {  	_ =	swait.ge [sflag:s29], $0x1  }
0xb4: {  	[sflag:s29] =	ssyncadd.s32 $0xFFFFFFFF  }
0xb5: {  	_ =	strace $0x9000004E  }
0xb6: {  	_ =	sfence  }
0xb7: {  	s30 =	sld [smem:$0x0];
	_ =	sdelay $0x2  }
0xb8: {  	s31 =	sshll.u32 s1, $0xD;
	s1 =	sshrl.u32 s1, $0x2  }
0xb9: {  	s3 =	sand.u32 $0x4000, s31;
	s1 =	sadd.s32 s1, s30  }
0xba: {  	s0 =	sor.u32 s3, s0;
	s1 =	sshll.u32 s1, $0x11  }
0xbb: {  	s0 =	sor.u32 s1, s0  }
0xbc: {  	s0 =	sadd.s32 $0x8F2B, s0  }
0xbd: {  	[sflag:s0] =	ssyncadd.remote.s32 $0x1  }
0xbe: {  	_ =	sfence.sel $0xFFFF  }
0xbf: {  	[dreg:$0x0] =	wrdreg $0xFFFFFFFF;
	(pc) =	sbr.abs _section_cstart, $3  }
0xc0: {  	[dreg:$0x1] =	wrdreg $0xFFFFFFFF  }
0xc1: {  	_ =	task.clear_ibuf [dreg:s6], $0x2FFFF;
	_ =	strace $0x9FFFFFFF  }
0xc2: {  	(tm) =	ssettm $0x7FFFFFFF  }
0xc3: {  	_ =	shalt  }
tec
execute0_lowered:
.L_overlay_start_1:
0x0: {  	(tag) =	ssettag $0x1  }
0x1: {  	s18 =	rddreg [dreg:$0x0]  }
0x2: {  	s2 =	rddreg [dreg:$0x1]  }
0x3: {  	s0 =	rddreg [dreg:$0x2]  }
0x4: {  	s1 =	stileid.u32;
	s4 =	srdreg.scid;
	s3 =	simm.s32 $0x0  }
0x5: {  	s5 =	smul.u32 $0x4E20, s1;
	s19 =	sand.u32 $0x1, s4;
	s26 =	sshll.u32 s1, $0x1  }
0x6: {  	[smem:$0x7FF] =	sst s3;
	s30 =	sshll.u32 s1, $0x6;
	s4 =	sor.u32 s19, s26  }
0x7: {  	_ =	strace $0x8000004D;
	s6 =	sshrl.u32 s5, $0x3;
	s8 =	smul.u32 $0x7D, s4  }
0x8: {  	s29 =	sadd.s32 s5, s2;
	s5 =	sor.u32 $0x1C02, s30;
	s28 =	sadd.s32 s6, s18  }
0x9: {  	s7 =	sshrl.u32 s29, $0x3;
	s6 =	simm.s32 $0x2;
	s4 =	sadd.s32 $0x3F200, s28  }
0xa: {  	[spmem:s7], [sflag:s5] =	dma.local [hbm:s4], $0x9C4  }
0xb: {  	_ =	swait.ge [sflag:s6], $0x9C4  }
0xc: {  	[sflag:s6] =	ssyncset.done $0x0  }
0xd: {  	s9 =	simm.s32 $0x3E8;
	s17 =	sadd.s32 s8, s18;
	[sflag:s6] =	ssyncadd.s32 $0xFFFFF63C  }
0xe: {  	s10 =	simm.s32 $0x27100;
	s8 =	sadd.s32 $0x35400, s17;
	[bflag:$0x0] =	sbarrier.arrive $0xFFFF  }
0xf: {  	[tilespmem:s3], [sflag:$0x2] =	stream.strided.gather [hbm4b:s8+s9], $0x7D0, s10, s9, $0x38;
	[tilespmem:$0xD2F0] =	vst v63  }
0x10: {  	_ =	swait.ge [sflag:s6], $0x7D0  }
0x11: {  	s12 =	simm.s32 $0x7D0;
	[sflag:s6] =	ssyncset.done $0x0  }
0x12: {  	s13 =	simm.s32 $0x1;
	s11 =	sadd.s32 $0x2B600, s18;
	[sflag:s6] =	ssyncadd.s32 $0xFFFFF830  }
0x13: {  	[tilespmem:s12], [sflag:$0x1] =	stream.indirect.gather [hbm4b:s11+s9], $0x20, s3, s9, $0xb8;
	[tilespmem:$0xD2F0] =	vst v63  }
0x14: {  	_ =	swait.ge [sflag:s13], $0x7D00  }
0x15: {  	[sflag:s13] =	ssyncset.done $0x0  }
0x16: {  	[sflag:s13] =	ssyncadd.s32 $0xFFFF8300  }
0x17: {  	[spmem:s2] =	stream.indirect.scatter.add.f32 [tilespmem:s12], [sflag:$0x2], $0x20, s9, s9, $0xb8;
	[tilespmem:$0xD2F0] =	vst v63  }
0x18: {  	_ =	swait.ge [sflag:s6], $0x7D00  }
0x19: {  	[sflag:s6] =	ssyncset.done $0x0  }
0x1a: {  	s14 =	sadd.s32 $0x363A0, s17;
	[sflag:s6] =	ssyncadd.s32 $0xFFFF8300  }
0x1b: {  	[tilespmem:s3], [sflag:$0x2] =	stream.strided.gather [hbm4b:s14+s9], $0x7D0, s10, s9, $0x38;
	[tilespmem:$0xD2F0] =	vst v63  }
0x1c: {  	_ =	swait.ge [sflag:s6], $0x7D0  }
0x1d: {  	[sflag:s6] =	ssyncset.done $0x0  }
0x1e: {  	[sflag:s6] =	ssyncadd.s32 $0xFFFFF830  }
0x1f: {  	[tilespmem:s12], [sflag:$0x1] =	stream.indirect.gather [hbm4b:s11+s9], $0x20, s3, s9, $0xb8;
	[tilespmem:$0xD2F0] =	vst v63  }
0x20: {  	_ =	swait.ge [sflag:s13], $0x7D00  }
0x21: {  	[sflag:s13] =	ssyncset.done $0x0  }
0x22: {  	[sflag:s13] =	ssyncadd.s32 $0xFFFF8300  }
0x23: {  	[spmem:s2] =	stream.indirect.scatter.add.f32 [tilespmem:s12], [sflag:$0x2], $0x20, s9, s9, $0xb8;
	[tilespmem:$0xD2F0] =	vst v63  }
0x24: {  	_ =	swait.ge [sflag:s6], $0x7D00  }
0x25: {  	[sflag:s6] =	ssyncset.done $0x0  }
0x26: {  	s15 =	sadd.s32 $0x37340, s17;
	[sflag:s6] =	ssyncadd.s32 $0xFFFF8300  }
0x27: {  	[tilespmem:s3], [sflag:$0x2] =	stream.strided.gather [hbm4b:s15+s9], $0x7D0, s10, s9, $0x38;
	[tilespmem:$0xD2F0] =	vst v63  }
0x28: {  	_ =	swait.ge [sflag:s6], $0x7D0  }
0x29: {  	[sflag:s6] =	ssyncset.done $0x0  }
0x2a: {  	[sflag:s6] =	ssyncadd.s32 $0xFFFFF830  }
0x2b: {  	[tilespmem:s12], [sflag:$0x1] =	stream.indirect.gather [hbm4b:s11+s9], $0x20, s3, s9, $0xb8;
	[tilespmem:$0xD2F0] =	vst v63  }
0x2c: {  	_ =	swait.ge [sflag:s13], $0x7D00  }
0x2d: {  	[sflag:s13] =	ssyncset.done $0x0  }
0x2e: {  	[sflag:s13] =	ssyncadd.s32 $0xFFFF8300  }
0x2f: {  	[spmem:s2] =	stream.indirect.scatter.add.f32 [tilespmem:s12], [sflag:$0x2], $0x20, s9, s9, $0xb8;
	[tilespmem:$0xD2F0] =	vst v63  }
0x30: {  	_ =	swait.ge [sflag:s6], $0x7D00  }
0x31: {  	[sflag:s6] =	ssyncset.done $0x0  }
0x32: {  	s16 =	sadd.s32 $0x382E0, s17;
	[sflag:s6] =	ssyncadd.s32 $0xFFFF8300  }
0x33: {  	[tilespmem:s3], [sflag:$0x2] =	stream.strided.gather [hbm4b:s16+s9], $0x7D0, s10, s9, $0x38;
	[tilespmem:$0xD2F0] =	vst v63  }
0x34: {  	_ =	swait.ge [sflag:s6], $0x7D0  }
0x35: {  	[sflag:s6] =	ssyncset.done $0x0  }
0x36: {  	[sflag:s6] =	ssyncadd.s32 $0xFFFFF830  }
0x37: {  	[tilespmem:s12], [sflag:$0x1] =	stream.indirect.gather [hbm4b:s11+s9], $0x20, s3, s9, $0xb8;
	[tilespmem:$0xD2F0] =	vst v63  }
0x38: {  	_ =	swait.ge [sflag:s13], $0x7D00  }
0x39: {  	[sflag:s13] =	ssyncset.done $0x0  }
0x3a: {  	[sflag:s13] =	ssyncadd.s32 $0xFFFF8300  }
0x3b: {  	[spmem:s2] =	stream.indirect.scatter.add.f32 [tilespmem:s12], [sflag:$0x2], $0x20, s9, s9, $0xb8;
	[tilespmem:$0xD2F0] =	vst v63  }
0x3c: {  	_ =	swait.ge [sflag:s6], $0x7D00  }
0x3d: {  	[sflag:s6] =	ssyncset.done $0x0  }
0x3e: {  	s17 =	sadd.s32 $0x39280, s17;
	[sflag:s6] =	ssyncadd.s32 $0xFFFF8300  }
0x3f: {  	[tilespmem:s3], [sflag:$0x2] =	stream.strided.gather [hbm4b:s17+s9], $0x7D0, s10, s9, $0x38;
	[tilespmem:$0xD2F0] =	vst v63  }
0x40: {  	_ =	swait.ge [sflag:s6], $0x7D0  }
0x41: {  	[sflag:s6] =	ssyncset.done $0x0  }
0x42: {  	[sflag:s6] =	ssyncadd.s32 $0xFFFFF830  }
0x43: {  	[tilespmem:s12], [sflag:$0x1] =	stream.indirect.gather [hbm4b:s11+s9], $0x20, s3, s9, $0xb8;
	[tilespmem:$0xD2F0] =	vst v63  }
0x44: {  	s21 =	smul.u32 $0x9C40, s19;
	s19 =	ssub.s32 $0x2, s19;
	_ =	swait.ge [sflag:s13], $0x7D00  }
0x45: {  	s31 =	sshrl.u32 s19, $0x1;
	[sflag:s13] =	ssyncset.done $0x0  }
0x46: {  	s20 =	smul.u32 $0x9C4, s1;
	s19 =	ssub.s32 s19, s31;
	[sflag:s13] =	ssyncadd.s32 $0xFFFF8300  }
0x47: {  	[spmem:s2] =	stream.indirect.scatter.add.f32 [tilespmem:s12], [sflag:$0x2], $0x20, s9, s9, $0xb8;
	[tilespmem:$0xD2F0] =	vst v63  }
0x48: {  	s19 =	smax.u32 s19, $0x1;
	_ =	swait.ge [sflag:s6], $0x7D00  }
0x49: {  	s20 =	sadd.s32 s20, s21;
	p0 =	sne.s32 s19, $0x1;
	[sflag:s6] =	ssyncset.done $0x0  }
.Ltmp0:
0x4a: {  	s18 =	sadd.s32 s20, s18;
	[sflag:s6] =	ssyncadd.s32 $0xFFFF8300;
	(pc) =	sbr.rel @!p0 .LBB2_2-.Ltmp0, $4  }
0x4b: {  	s18 =	sadd.s32 $0x49000, s18;
	[bflag:$0x0] =	sbarrier.arrive $0xFFFF  }
0x4c: {  	[hbm:s18], [sflag:s5] =	dma.local [spmem:s7], $0x9C4  }
0x4d: {  	_ =	swait.ge [sflag:s6], $0x9C4  }
0x4e: {  	s19 =	sadd.s32 $0xFFFFFFFF, s19;
	[sflag:s6] =	ssyncset.done $0x0  }
.LBB2_1:
0x4f: {  	p0 =	sne.s32 s19, $0x1;
	s19 =	sadd.s32 $0xFFFFFFFF, s19;
	[sflag:s6] =	ssyncadd.s32 $0xFFFFF63C  }
0x50: {  	[spmem:s7], [sflag:s5] =	dma.local [hbm:s4], $0x9C4  }
0x51: {  	_ =	swait.ge [sflag:s6], $0x9C4  }
0x52: {  	[sflag:s6] =	ssyncset.done $0x0  }
0x53: {  	[sflag:s6] =	ssyncadd.s32 $0xFFFFF63C  }
0x54: {  	[bflag:$0x0] =	sbarrier.arrive $0xFFFF  }
0x55: {  	[tilespmem:s3], [sflag:$0x2] =	stream.strided.gather [hbm4b:s8+s9], $0x7D0, s10, s9, $0x38;
	[tilespmem:$0xD2F0] =	vst v63  }
0x56: {  	_ =	swait.ge [sflag:s6], $0x7D0  }
0x57: {  	[sflag:s6] =	ssyncset.done $0x0  }
0x58: {  	[sflag:s6] =	ssyncadd.s32 $0xFFFFF830  }
0x59: {  	[tilespmem:s12], [sflag:$0x1] =	stream.indirect.gather [hbm4b:s11+s9], $0x20, s3, s9, $0xb8;
	[tilespmem:$0xD2F0] =	vst v63  }
0x5a: {  	_ =	swait.ge [sflag:s13], $0x7D00  }
0x5b: {  	[sflag:s13] =	ssyncset.done $0x0  }
0x5c: {  	[sflag:s13] =	ssyncadd.s32 $0xFFFF8300  }
0x5d: {  	[spmem:s2] =	stream.indirect.scatter.add.f32 [tilespmem:s12], [sflag:$0x2], $0x20, s9, s9, $0xb8;
	[tilespmem:$0xD2F0] =	vst v63  }
0x5e: {  	_ =	swait.ge [sflag:s6], $0x7D00  }
0x5f: {  	[sflag:s6] =	ssyncset.done $0x0  }
0x60: {  	[sflag:s6] =	ssyncadd.s32 $0xFFFF8300  }
0x61: {  	[tilespmem:s3], [sflag:$0x2] =	stream.strided.gather [hbm4b:s14+s9], $0x7D0, s10, s9, $0x38;
	[tilespmem:$0xD2F0] =	vst v63  }
0x62: {  	_ =	swait.ge [sflag:s6], $0x7D0  }
0x63: {  	[sflag:s6] =	ssyncset.done $0x0  }
0x64: {  	[sflag:s6] =	ssyncadd.s32 $0xFFFFF830  }
0x65: {  	[tilespmem:s12], [sflag:$0x1] =	stream.indirect.gather [hbm4b:s11+s9], $0x20, s3, s9, $0xb8;
	[tilespmem:$0xD2F0] =	vst v63  }
0x66: {  	_ =	swait.ge [sflag:s13], $0x7D00  }
0x67: {  	[sflag:s13] =	ssyncset.done $0x0  }
0x68: {  	[sflag:s13] =	ssyncadd.s32 $0xFFFF8300  }
0x69: {  	[spmem:s2] =	stream.indirect.scatter.add.f32 [tilespmem:s12], [sflag:$0x2], $0x20, s9, s9, $0xb8;
	[tilespmem:$0xD2F0] =	vst v63  }
0x6a: {  	_ =	swait.ge [sflag:s6], $0x7D00  }
0x6b: {  	[sflag:s6] =	ssyncset.done $0x0  }
0x6c: {  	[sflag:s6] =	ssyncadd.s32 $0xFFFF8300  }
0x6d: {  	[tilespmem:s3], [sflag:$0x2] =	stream.strided.gather [hbm4b:s15+s9], $0x7D0, s10, s9, $0x38;
	[tilespmem:$0xD2F0] =	vst v63  }
0x6e: {  	_ =	swait.ge [sflag:s6], $0x7D0  }
0x6f: {  	[sflag:s6] =	ssyncset.done $0x0  }
0x70: {  	[sflag:s6] =	ssyncadd.s32 $0xFFFFF830  }
0x71: {  	[tilespmem:s12], [sflag:$0x1] =	stream.indirect.gather [hbm4b:s11+s9], $0x20, s3, s9, $0xb8;
	[tilespmem:$0xD2F0] =	vst v63  }
0x72: {  	_ =	swait.ge [sflag:s13], $0x7D00  }
0x73: {  	[sflag:s13] =	ssyncset.done $0x0  }
0x74: {  	[sflag:s13] =	ssyncadd.s32 $0xFFFF8300  }
0x75: {  	[spmem:s2] =	stream.indirect.scatter.add.f32 [tilespmem:s12], [sflag:$0x2], $0x20, s9, s9, $0xb8;
	[tilespmem:$0xD2F0] =	vst v63  }
0x76: {  	_ =	swait.ge [sflag:s6], $0x7D00  }
0x77: {  	[sflag:s6] =	ssyncset.done $0x0  }
0x78: {  	[sflag:s6] =	ssyncadd.s32 $0xFFFF8300  }
0x79: {  	[tilespmem:s3], [sflag:$0x2] =	stream.strided.gather [hbm4b:s16+s9], $0x7D0, s10, s9, $0x38;
	[tilespmem:$0xD2F0] =	vst v63  }
0x7a: {  	_ =	swait.ge [sflag:s6], $0x7D0  }
0x7b: {  	[sflag:s6] =	ssyncset.done $0x0  }
0x7c: {  	[sflag:s6] =	ssyncadd.s32 $0xFFFFF830  }
0x7d: {  	[tilespmem:s12], [sflag:$0x1] =	stream.indirect.gather [hbm4b:s11+s9], $0x20, s3, s9, $0xb8;
	[tilespmem:$0xD2F0] =	vst v63  }
0x7e: {  	_ =	swait.ge [sflag:s13], $0x7D00  }
0x7f: {  	[sflag:s13] =	ssyncset.done $0x0  }
0x80: {  	[sflag:s13] =	ssyncadd.s32 $0xFFFF8300  }
0x81: {  	[spmem:s2] =	stream.indirect.scatter.add.f32 [tilespmem:s12], [sflag:$0x2], $0x20, s9, s9, $0xb8;
	[tilespmem:$0xD2F0] =	vst v63  }
0x82: {  	_ =	swait.ge [sflag:s6], $0x7D00  }
0x83: {  	[sflag:s6] =	ssyncset.done $0x0  }
0x84: {  	[sflag:s6] =	ssyncadd.s32 $0xFFFF8300  }
0x85: {  	[tilespmem:s3], [sflag:$0x2] =	stream.strided.gather [hbm4b:s17+s9], $0x7D0, s10, s9, $0x38;
	[tilespmem:$0xD2F0] =	vst v63  }
0x86: {  	_ =	swait.ge [sflag:s6], $0x7D0  }
0x87: {  	[sflag:s6] =	ssyncset.done $0x0  }
0x88: {  	[sflag:s6] =	ssyncadd.s32 $0xFFFFF830  }
0x89: {  	[tilespmem:s12], [sflag:$0x1] =	stream.indirect.gather [hbm4b:s11+s9], $0x20, s3, s9, $0xb8;
	[tilespmem:$0xD2F0] =	vst v63  }
0x8a: {  	_ =	swait.ge [sflag:s13], $0x7D00  }
0x8b: {  	[sflag:s13] =	ssyncset.done $0x0  }
0x8c: {  	[sflag:s13] =	ssyncadd.s32 $0xFFFF8300  }
0x8d: {  	[spmem:s2] =	stream.indirect.scatter.add.f32 [tilespmem:s12], [sflag:$0x2], $0x20, s9, s9, $0xb8;
	[tilespmem:$0xD2F0] =	vst v63  }
0x8e: {  	_ =	swait.ge [sflag:s6], $0x7D00  }
0x8f: {  	[sflag:s6] =	ssyncset.done $0x0  }
.Ltmp1:
0x90: {  	[sflag:s6] =	ssyncadd.s32 $0xFFFF8300;
	(pc) =	sbr.rel @p0 .LBB2_1-.Ltmp1, $4  }
0x91: {  	[bflag:$0x0] =	sbarrier.arrive $0xFFFF  }
0x92: {  	[hbm:s18], [sflag:s5] =	dma.local [spmem:s7], $0x9C4  }
0x93: {  	_ =	swait.ge [sflag:s6], $0x9C4  }
0x94: {  	[sflag:s6] =	ssyncset.done $0x0  }
.LBB2_2:
0x95: {  	[sflag:s6] =	ssyncadd.s32 $0xFFFFF63C  }
0x96: {  	_ =	sfence.sel $0x180000  }
0x97: {  	[bflag:$0x0] =	sbarrier.arrive $0xFFFF  }
0x98: {  	p0 =	sne.s32 s1, $0x0;
	_ =	strace $0x9000004D  }
0x99: {  	s0 =	sadd.s32 @!p0 $0x100000, s0;
	[bflag:$0x2] =	sbarrier.arrive $0xFFFF  }
0x9a: {  	[sflag:s0] =	ssyncadd.tile.s32 @!p0 $0x1;
	_ =	shalt  }
.Lfunc_end2:
_tile_overlayer_lowered:
.L_overlay_start_2:
0x9b: {  	(tag) =	ssettag $0x2  }
0x9c: {  	s0 =	rddreg [dreg:$0x0];
	s2 =	stileid.u32  }
0x9d: {  	s1 =	rddreg [dreg:$0x1];
	p0 =	sne.s32 s2, $0x0  }
0x9e: {  	s3 =	rddreg [dreg:$0x2];
	[bflag:$0x3] =	sbarrier.arrive $0xFFFF;
	s2 =	simm.s32 @!p0 $0x1C02  }
0x9f: {  	[timem:s3], [sflag:s2] =	dma.local @!p0 [hbm:s0], s1  }
0xa0: {  	s0 =	simm.s32 @!p0 $0x2  }
0xa1: {  	_ =	swait.ge @!p0 [sflag:s0], s1  }
0xa2: {  	s1 =	ssub.s32 @!p0 $0x0, s1;
	[sflag:s0] =	ssyncset.done @!p0 $0x0  }
0xa3: {  	[sflag:s0] =	ssyncadd.s32 @!p0 s1  }
0xa4: {  	[bflag:$0x3] =	sbarrier.arrive $0xFFFF  }
0xa5: {  	_ =	shalt  }

// kernel: kernel.20.cloned.1.call-start
scs
__scs_entry_jumppad:
0x0: {  	(pc) =	sbr.rel $0x88, $3  }
0x1: {  	(tag) =	ssettag $0x0;
	lr =	simm.s32 $0x1  }
0x2: {  	[smem:$0x3F91] =	sst lr;
	_ =	strace $0xD0000000  }
0x3: {  	_ = 	snop  }
0x4: {  	_ = 	snop  }
0x5: {  	_ = 	snop  }
0x6: {  	_ = 	snop  }
0x7: {  	_ = 	snop  }
__scs_overlays_trampoline_lowered:
0x8: {  	[smem:$0x3FA0] =	sst s0  }
0x9: {  	[smem:$0x3FA1] =	sst s1  }
0xa: {  	[smem:$0x3FA2] =	sst s2  }
0xb: {  	[smem:$0x3FA3] =	sst s3  }
0xc: {  	[smem:$0x3FA4] =	sst s4  }
0xd: {  	[smem:$0x3FA5] =	sst s5  }
0xe: {  	[smem:$0x3FA6] =	sst s6  }
0xf: {  	[smem:$0x3FA7] =	sst s7  }
0x10: {  	[smem:$0x3FA8] =	sst s8  }
0x11: {  	[smem:$0x3FA9] =	sst s9;
	s0 =	simm.s32 @!p0 $0x0  }
0x12: {  	s1 =	sld [smem:$0x3F8F];
	s0 =	simm.s32 @p0 $0x1  }
0x13: {  	[smem:$0x3FAA] =	sst s0;
	s0 =	simm.s32 @!p1 $0x0  }
0x14: {  	s2 =	sld [smem:$0x3F8E];
	s0 =	simm.s32 @p1 $0x1  }
0x15: {  	[smem:$0x3FAB] =	sst s0;
	s0 =	simm.s32 @!p2 $0x0  }
0x16: {  	s3 =	sld [smem:$0x3FDB];
	s0 =	simm.s32 @p2 $0x1  }
0x17: {  	s4 =	simm.s32 $0x1BF5;
	[smem:$0x3FAD] =	sst s0  }
0x18: {  	s0 =	sld [smem:$0x3F90];
	_ =	swait.ge [sflag:s4], $0x0  }
0x19: {  	s7 =	sld [smem:$0x3F91]  }
0x1a: {  	s8 =	sadd.s32 $0xFFFFE003, lr  }
0x1b: {  	s9 =	sadd.s32 $0xFFFFFEF7, lr;
	s5 =	simm.s32 $0xFFFFFFFF;
	p2 =	slt.u32 s8, $0xFFFFF086  }
0x1c: {  	p1 =	slt.u32 s9, $0xF7A;
	s5 =	simm.s32 @!p2 $0x0  }
0x1d: {  	s5 =	simm.s32 @p1 $0x1;
	p0 =	seq.s32 s7, s2  }
0x1e: {  	s7 =	smul.u32 @!p0 $0xF7A, s2;
	p2 =	seq.s32 @!p0 s5, $0x0  }
0x1f: {  	s9 =	smul.u32 $0xF7A, s1;
	s8 =	simm.s32 @!p0 $0x1BF5;
	p2 =	por !p2, p0  }
0x20: {  	[sflag:s8] =	ssyncset.s32 @!p0 $0xFFFFF086;
	s6 =	sadd.s32 @!p0 s3, s7;
	s7 =	simm.s32 @!p0 $0x108  }
0x21: {  	s3 =	sadd.s32 s3, s9;
	s6 =	sadd.s32 @!p0 $0x88, s6;
	s7 =	simm.s32 @p2 $0x1082  }
0x22: {  	[simem:s7], [sflag:s8] =	dma.local @!p0 [hbm:s6], $0xF7A  }
0x23: {  	s9 =	sor.u32 $0xD0000000, s2;
	s6 =	simm.s32 $0x108;
	_ =	swait.ge @!p0 [sflag:s8], $0x0  }
0x24: {  	s3 =	sadd.s32 $0x88, s3;
	s6 =	simm.s32 @!p1 $0x1082;
	[sflag:s4] =	ssyncset.s32 $0xFFFFF086  }
0x25: {  	[simem:s6], [sflag:s4] =	dma.local [hbm:s3], $0xF7A  }
0x26: {  	[smem:$0x3F91] =	sst s1;
	(tag) =	ssettag s2;
	_ =	strace s9  }
0x27: {  	s1 =	sld [smem:$0x3FA1]  }
0x28: {  	s2 =	sld [smem:$0x3FA2]  }
0x29: {  	s4 =	sld [smem:$0x3FA4]  }
0x2a: {  	p0 =	seq.s32 s5, $0x0;
	s5 =	sld [smem:$0x3FA5]  }
0x2b: {  	s6 =	sld [smem:$0x3FA6]  }
0x2c: {  	s7 =	sld [smem:$0x3FA7]  }
0x2d: {  	s3 =	simm.s32 $0x108;
	s8 =	sld [smem:$0x3FA8]  }
0x2e: {  	s3 =	simm.s32 @!p0 $0x1082;
	s9 =	sld [smem:$0x3FA9]  }
0x2f: {  	lr =	sadd.s32 s0, s3;
	s0 =	sld [smem:$0x3FA0]  }
0x30: {  	s3 =	sld [smem:$0x3FA3]  }
0x31: {  	[smem:$0x3FAC] =	sst s10  }
0x32: {  	s10 =	sld [smem:$0x3FAA];
	_ =	sdelay $0x3  }
0x33: {  	p0 =	seq.s32 s10, $0x1;
	s10 =	sld [smem:$0x3FAC];
	_ =	sdelay $0x3  }
0x34: {  	[smem:$0x3FAC] =	sst s10  }
0x35: {  	s10 =	sld [smem:$0x3FAB];
	_ =	sdelay $0x3  }
0x36: {  	p1 =	seq.s32 s10, $0x1;
	s10 =	sld [smem:$0x3FAC];
	_ =	sdelay $0x3  }
0x37: {  	[smem:$0x3FAC] =	sst s10  }
0x38: {  	s10 =	sld [smem:$0x3FAD]  }
0x39: {  	_ = 	snop;
	(pc) =	sbr.ind lr, $3  }
0x3a: {  	_ = 	snop  }
0x3b: {  	_ = 	snop  }
0x3c: {  	p2 =	seq.s32 s10, $0x1;
	s10 =	sld [smem:$0x3FAC]  }
0x3d: {  	_ =	shalt  }
0x3e: {  	_ =	shalt  }
0x3f: {  	_ =	shalt  }
0x40: {  	_ =	shalt  }
0x41: {  	_ =	shalt  }
0x42: {  	_ =	shalt  }
0x43: {  	_ =	shalt  }
0x44: {  	_ =	shalt  }
0x45: {  	_ =	shalt  }
0x46: {  	_ =	shalt  }
0x47: {  	_ =	shalt  }
0x48: {  	_ =	shalt  }
0x49: {  	_ =	shalt  }
0x4a: {  	_ =	shalt  }
0x4b: {  	_ =	shalt  }
0x4c: {  	_ =	shalt  }
0x4d: {  	_ =	shalt  }
0x4e: {  	_ =	shalt  }
0x4f: {  	_ =	shalt  }
0x50: {  	_ =	shalt  }
0x51: {  	_ =	shalt  }
0x52: {  	_ =	shalt  }
0x53: {  	_ =	shalt  }
0x54: {  	_ =	shalt  }
0x55: {  	_ =	shalt  }
0x56: {  	_ =	shalt  }
0x57: {  	_ =	shalt  }
0x58: {  	_ =	shalt  }
0x59: {  	_ =	shalt  }
0x5a: {  	_ =	shalt  }
0x5b: {  	_ =	shalt  }
0x5c: {  	_ =	shalt  }
0x5d: {  	_ =	shalt  }
0x5e: {  	_ =	shalt  }
0x5f: {  	_ =	shalt  }
0x60: {  	_ =	shalt  }
0x61: {  	_ =	shalt  }
0x62: {  	_ =	shalt  }
0x63: {  	_ =	shalt  }
0x64: {  	_ =	shalt  }
0x65: {  	_ =	shalt  }
0x66: {  	_ =	shalt  }
0x67: {  	_ =	shalt  }
0x68: {  	_ =	shalt  }
0x69: {  	_ =	shalt  }
0x6a: {  	_ =	shalt  }
0x6b: {  	_ =	shalt  }
0x6c: {  	_ =	shalt  }
0x6d: {  	_ =	shalt  }
0x6e: {  	_ =	shalt  }
0x6f: {  	_ =	shalt  }
0x70: {  	_ =	shalt  }
0x71: {  	_ =	shalt  }
0x72: {  	_ =	shalt  }
0x73: {  	_ =	shalt  }
0x74: {  	_ =	shalt  }
0x75: {  	_ =	shalt  }
0x76: {  	_ =	shalt  }
0x77: {  	_ =	shalt  }
0x78: {  	_ =	shalt  }
0x79: {  	_ =	shalt  }
0x7a: {  	_ =	shalt  }
0x7b: {  	_ =	shalt  }
0x7c: {  	_ =	shalt  }
0x7d: {  	_ =	shalt  }
0x7e: {  	_ =	shalt  }
0x7f: {  	_ =	shalt  }
0x80: {  	_ =	shalt  }
0x81: {  	_ =	shalt  }
0x82: {  	_ =	shalt  }
0x83: {  	_ =	shalt  }
0x84: {  	_ =	shalt  }
0x85: {  	_ =	shalt  }
0x86: {  	_ =	shalt  }
0x87: {  	_ =	shalt  }
.Lfunc_end0:
.L_simem_size_0:
called_computation.3_lowered:
.L_overlay_start_0:
0x88: {  	s2 =	sld [smem:$0x3FD9]  }
0x89: {  	s3 =	sld [smem:$0x3FFE];
	_ =	sdelay $0x1  }
0x8a: {  	s1 =	srdreg.scid  }
0x8b: {  	s0 =	sand.u32 $0x1, s1  }
0x8c: {  	s16 =	sshll.u32 s0, $0xA;
	s2 =	sadd.s32 s3, s2  }
0x8d: {  	s2 =	sadd.s32 s2, s16  }
0x8e: {  	[smem:$0x3FB8] =	sst s2  }
0x8f: {  	_ = 	snop  }
0x90: {  	(tm) =	ssettm $0x1  }
0x91: {  	s17 =	sld [smem:$0x3FFB];
	_ =	sdelay $0x3  }
0x92: {  	_ =	strace s17  }
0x93: {  	s2 =	sld [smem:$0x3FFC];
	_ =	sdelay $0x3  }
0x94: {  	_ =	strace s2  }
0x95: {  	s2 =	sld [smem:$0x3FFD];
	_ =	sdelay $0x3  }
0x96: {  	_ =	strace s2  }
0x97: {  	_ =	strace $0x8FFFFFFF  }
0x98: {  	s18 =	sld [smem:$0x3FDB];
	_ =	sdelay $0x1  }
0x99: {  	s19 =	simm.s32 $_scs_section_size  }
0x9a: {  	s4 =	simm.s32 $_size__tile_overlayer_lowered;
	s5 =	simm.s32 $_tile_overlayer_lowered  }
0x9b: {  	s22 =	simm.s32 $0x1BFF;
	s21 =	sshll.u32 s5, $0x1;
	s2 =	sadd.s32 s19, s18  }
0x9c: {  	s6 =	simm.s32 $0x0;
	s20 =	sshll.u32 s4, $0x1;
	s4 =	sadd.s32 s21, s2  }
0x9d: {  	[timem:s6], [sflag:s22] =	dma.local [hbm:s4], s20  }
0x9e: {  	_ =	swait.ge [sflag:s22], s20  }
0x9f: {  	s3 =	ssub.s32 $0x0, s20;
	[sflag:s22] =	ssyncset.done $0x0  }
0xa0: {  	[sflag:s22] =	ssyncadd.s32 s3;
	_ =	sdelay $0x1  }
0xa1: {  	s23 =	simm.s32 $0x1B8B  }
0xa2: {  	_ =	swait.ge [sflag:s23], $0x1  }
0xa3: {  	[sflag:s23] =	ssyncset.done $0x0  }
0xa4: {  	s25 =	simm.s32 $0x1B8E;
	s24 =	sld [smem:$0x3FFE];
	[sflag:s23] =	ssyncadd.s32 $0xFFFFFFFF  }
0xa5: {  	s26 =	simm.s32 $execute0_lowered;
	[smem:$0x3FD2] =	sst s25  }
0xa6: {  	s4 =	sshll.u32 s26, $0x1;
	_ =	strace $0x8000004F;
	[dreg:$0x1] =	wrdreg $0xFFFFFFFF  }
0xa7: {  	s28 =	simm.s32 $_size_execute0_lowered;
	s2 =	sadd.s32 s2, s4;
	[dreg:$0x0] =	wrdreg $0x0  }
0xa8: {  	s4 =	sshll.u32 s28, $0x1;
	[dreg:$0x2] =	wrdreg s2  }
0xa9: {  	[dreg:$0x3] =	wrdreg s4  }
0xaa: {  	[dreg:$0x4] =	wrdreg $0xC0  }
0xab: {  	_ =	task [dreg:s6], $0x5FFFF  }
0xac: {  	[dreg:$0x1] =	wrdreg $0xFFFFFFFF  }
0xad: {  	[dreg:$0x0] =	wrdreg $0x60  }
0xae: {  	[dreg:$0x2] =	wrdreg s24  }
0xaf: {  	[dreg:$0x3] =	wrdreg $0x84D00  }
0xb0: {  	[dreg:$0x4] =	wrdreg $0x9  }
0xb1: {  	_ =	task.clear_ibuf [dreg:s6], $0x5FFFF;
	_ =	strace $0x9000004F  }
0xb2: {  	s29 =	simm.s32 $0x9;
	_ =	strace $0x80000051  }
0xb3: {  	_ =	swait.ge [sflag:s29], $0x1  }
0xb4: {  	[sflag:s29] =	ssyncadd.s32 $0xFFFFFFFF  }
0xb5: {  	_ =	strace $0x90000051  }
0xb6: {  	_ =	sfence  }
0xb7: {  	s30 =	sld [smem:$0x0];
	_ =	sdelay $0x2  }
0xb8: {  	s31 =	sshll.u32 s1, $0xD;
	s1 =	sshrl.u32 s1, $0x2  }
0xb9: {  	s3 =	sand.u32 $0x4000, s31;
	s1 =	sadd.s32 s1, s30  }
0xba: {  	s0 =	sor.u32 s3, s0;
	s1 =	sshll.u32 s1, $0x11  }
0xbb: {  	s0 =	sor.u32 s1, s0  }
0xbc: {  	s0 =	sadd.s32 $0x8F2B, s0  }
0xbd: {  	[sflag:s0] =	ssyncadd.remote.s32 $0x1  }
0xbe: {  	_ =	sfence.sel $0xFFFF  }
0xbf: {  	[dreg:$0x0] =	wrdreg $0xFFFFFFFF;
	(pc) =	sbr.abs _section_cstart, $3  }
0xc0: {  	[dreg:$0x1] =	wrdreg $0xFFFFFFFF  }
0xc1: {  	_ =	task.clear_ibuf [dreg:s6], $0x2FFFF;
	_ =	strace $0x9FFFFFFF  }
0xc2: {  	(tm) =	ssettm $0x7FFFFFFF  }
0xc3: {  	_ =	shalt  }
tec
execute0_lowered:
.L_overlay_start_1:
0x0: {  	(tag) =	ssettag $0x1  }
0x1: {  	s18 =	rddreg [dreg:$0x0]  }
0x2: {  	s2 =	rddreg [dreg:$0x1]  }
0x3: {  	s0 =	rddreg [dreg:$0x2]  }
0x4: {  	s1 =	stileid.u32;
	s4 =	srdreg.scid;
	s3 =	simm.s32 $0x0  }
0x5: {  	s5 =	smul.u32 $0x4E20, s1;
	s19 =	sand.u32 $0x1, s4;
	s26 =	sshll.u32 s1, $0x1  }
0x6: {  	[smem:$0x7FF] =	sst s3;
	s30 =	sshll.u32 s1, $0x6;
	s4 =	sor.u32 s19, s26  }
0x7: {  	_ =	strace $0x80000050;
	s6 =	sshrl.u32 s5, $0x3;
	s8 =	smul.u32 $0x7D, s4  }
0x8: {  	s29 =	sadd.s32 s5, s2;
	s5 =	sor.u32 $0x1C02, s30;
	s28 =	sadd.s32 s6, s18  }
0x9: {  	s7 =	sshrl.u32 s29, $0x3;
	s6 =	simm.s32 $0x2;
	s4 =	sadd.s32 $0x3F200, s28  }
0xa: {  	[spmem:s7], [sflag:s5] =	dma.local [hbm:s4], $0x9C4  }
0xb: {  	_ =	swait.ge [sflag:s6], $0x9C4  }
0xc: {  	[sflag:s6] =	ssyncset.done $0x0  }
0xd: {  	s9 =	simm.s32 $0x3E8;
	s17 =	sadd.s32 s8, s18;
	[sflag:s6] =	ssyncadd.s32 $0xFFFFF63C  }
0xe: {  	s10 =	simm.s32 $0x27100;
	s8 =	sadd.s32 $0x35400, s17;
	[bflag:$0x0] =	sbarrier.arrive $0xFFFF  }
0xf: {  	[tilespmem:s3], [sflag:$0x2] =	stream.strided.gather [hbm4b:s8+s9], $0x7D0, s10, s9, $0x38;
	[tilespmem:$0xD2F0] =	vst v63  }
0x10: {  	_ =	swait.ge [sflag:s6], $0x7D0  }
0x11: {  	s12 =	simm.s32 $0x7D0;
	[sflag:s6] =	ssyncset.done $0x0  }
0x12: {  	s13 =	simm.s32 $0x1;
	s11 =	sadd.s32 $0x2B600, s18;
	[sflag:s6] =	ssyncadd.s32 $0xFFFFF830  }
0x13: {  	[tilespmem:s12], [sflag:$0x1] =	stream.indirect.gather [hbm4b:s11+s9], $0x20, s3, s9, $0xb8;
	[tilespmem:$0xD2F0] =	vst v63  }
0x14: {  	_ =	swait.ge [sflag:s13], $0x7D00  }
0x15: {  	[sflag:s13] =	ssyncset.done $0x0  }
0x16: {  	[sflag:s13] =	ssyncadd.s32 $0xFFFF8300  }
0x17: {  	[spmem:s2] =	stream.indirect.scatter.add.f32 [tilespmem:s12], [sflag:$0x2], $0x20, s9, s9, $0xb8;
	[tilespmem:$0xD2F0] =	vst v63  }
0x18: {  	_ =	swait.ge [sflag:s6], $0x7D00  }
0x19: {  	[sflag:s6] =	ssyncset.done $0x0  }
0x1a: {  	s14 =	sadd.s32 $0x363A0, s17;
	[sflag:s6] =	ssyncadd.s32 $0xFFFF8300  }
0x1b: {  	[tilespmem:s3], [sflag:$0x2] =	stream.strided.gather [hbm4b:s14+s9], $0x7D0, s10, s9, $0x38;
	[tilespmem:$0xD2F0] =	vst v63  }
0x1c: {  	_ =	swait.ge [sflag:s6], $0x7D0  }
0x1d: {  	[sflag:s6] =	ssyncset.done $0x0  }
0x1e: {  	[sflag:s6] =	ssyncadd.s32 $0xFFFFF830  }
0x1f: {  	[tilespmem:s12], [sflag:$0x1] =	stream.indirect.gather [hbm4b:s11+s9], $0x20, s3, s9, $0xb8;
	[tilespmem:$0xD2F0] =	vst v63  }
0x20: {  	_ =	swait.ge [sflag:s13], $0x7D00  }
0x21: {  	[sflag:s13] =	ssyncset.done $0x0  }
0x22: {  	[sflag:s13] =	ssyncadd.s32 $0xFFFF8300  }
0x23: {  	[spmem:s2] =	stream.indirect.scatter.add.f32 [tilespmem:s12], [sflag:$0x2], $0x20, s9, s9, $0xb8;
	[tilespmem:$0xD2F0] =	vst v63  }
0x24: {  	_ =	swait.ge [sflag:s6], $0x7D00  }
0x25: {  	[sflag:s6] =	ssyncset.done $0x0  }
0x26: {  	s15 =	sadd.s32 $0x37340, s17;
	[sflag:s6] =	ssyncadd.s32 $0xFFFF8300  }
0x27: {  	[tilespmem:s3], [sflag:$0x2] =	stream.strided.gather [hbm4b:s15+s9], $0x7D0, s10, s9, $0x38;
	[tilespmem:$0xD2F0] =	vst v63  }
0x28: {  	_ =	swait.ge [sflag:s6], $0x7D0  }
0x29: {  	[sflag:s6] =	ssyncset.done $0x0  }
0x2a: {  	[sflag:s6] =	ssyncadd.s32 $0xFFFFF830  }
0x2b: {  	[tilespmem:s12], [sflag:$0x1] =	stream.indirect.gather [hbm4b:s11+s9], $0x20, s3, s9, $0xb8;
	[tilespmem:$0xD2F0] =	vst v63  }
0x2c: {  	_ =	swait.ge [sflag:s13], $0x7D00  }
0x2d: {  	[sflag:s13] =	ssyncset.done $0x0  }
0x2e: {  	[sflag:s13] =	ssyncadd.s32 $0xFFFF8300  }
0x2f: {  	[spmem:s2] =	stream.indirect.scatter.add.f32 [tilespmem:s12], [sflag:$0x2], $0x20, s9, s9, $0xb8;
	[tilespmem:$0xD2F0] =	vst v63  }
0x30: {  	_ =	swait.ge [sflag:s6], $0x7D00  }
0x31: {  	[sflag:s6] =	ssyncset.done $0x0  }
0x32: {  	s16 =	sadd.s32 $0x382E0, s17;
	[sflag:s6] =	ssyncadd.s32 $0xFFFF8300  }
0x33: {  	[tilespmem:s3], [sflag:$0x2] =	stream.strided.gather [hbm4b:s16+s9], $0x7D0, s10, s9, $0x38;
	[tilespmem:$0xD2F0] =	vst v63  }
0x34: {  	_ =	swait.ge [sflag:s6], $0x7D0  }
0x35: {  	[sflag:s6] =	ssyncset.done $0x0  }
0x36: {  	[sflag:s6] =	ssyncadd.s32 $0xFFFFF830  }
0x37: {  	[tilespmem:s12], [sflag:$0x1] =	stream.indirect.gather [hbm4b:s11+s9], $0x20, s3, s9, $0xb8;
	[tilespmem:$0xD2F0] =	vst v63  }
0x38: {  	_ =	swait.ge [sflag:s13], $0x7D00  }
0x39: {  	[sflag:s13] =	ssyncset.done $0x0  }
0x3a: {  	[sflag:s13] =	ssyncadd.s32 $0xFFFF8300  }
0x3b: {  	[spmem:s2] =	stream.indirect.scatter.add.f32 [tilespmem:s12], [sflag:$0x2], $0x20, s9, s9, $0xb8;
	[tilespmem:$0xD2F0] =	vst v63  }
0x3c: {  	_ =	swait.ge [sflag:s6], $0x7D00  }
0x3d: {  	[sflag:s6] =	ssyncset.done $0x0  }
0x3e: {  	s17 =	sadd.s32 $0x39280, s17;
	[sflag:s6] =	ssyncadd.s32 $0xFFFF8300  }
0x3f: {  	[tilespmem:s3], [sflag:$0x2] =	stream.strided.gather [hbm4b:s17+s9], $0x7D0, s10, s9, $0x38;
	[tilespmem:$0xD2F0] =	vst v63  }
0x40: {  	_ =	swait.ge [sflag:s6], $0x7D0  }
0x41: {  	[sflag:s6] =	ssyncset.done $0x0  }
0x42: {  	[sflag:s6] =	ssyncadd.s32 $0xFFFFF830  }
0x43: {  	[tilespmem:s12], [sflag:$0x1] =	stream.indirect.gather [hbm4b:s11+s9], $0x20, s3, s9, $0xb8;
	[tilespmem:$0xD2F0] =	vst v63  }
0x44: {  	s21 =	smul.u32 $0x9C40, s19;
	s19 =	ssub.s32 $0x2, s19;
	_ =	swait.ge [sflag:s13], $0x7D00  }
0x45: {  	s31 =	sshrl.u32 s19, $0x1;
	[sflag:s13] =	ssyncset.done $0x0  }
0x46: {  	s20 =	smul.u32 $0x9C4, s1;
	s19 =	ssub.s32 s19, s31;
	[sflag:s13] =	ssyncadd.s32 $0xFFFF8300  }
0x47: {  	[spmem:s2] =	stream.indirect.scatter.add.f32 [tilespmem:s12], [sflag:$0x2], $0x20, s9, s9, $0xb8;
	[tilespmem:$0xD2F0] =	vst v63  }
0x48: {  	s19 =	smax.u32 s19, $0x1;
	_ =	swait.ge [sflag:s6], $0x7D00  }
0x49: {  	s20 =	sadd.s32 s20, s21;
	p0 =	sne.s32 s19, $0x1;
	[sflag:s6] =	ssyncset.done $0x0  }
.Ltmp0:
0x4a: {  	s18 =	sadd.s32 s20, s18;
	[sflag:s6] =	ssyncadd.s32 $0xFFFF8300;
	(pc) =	sbr.rel @!p0 .LBB2_2-.Ltmp0, $4  }
0x4b: {  	s18 =	sadd.s32 $0x49000, s18;
	[bflag:$0x0] =	sbarrier.arrive $0xFFFF  }
0x4c: {  	[hbm:s18], [sflag:s5] =	dma.local [spmem:s7], $0x9C4  }
0x4d: {  	_ =	swait.ge [sflag:s6], $0x9C4  }
0x4e: {  	s19 =	sadd.s32 $0xFFFFFFFF, s19;
	[sflag:s6] =	ssyncset.done $0x0  }
.LBB2_1:
0x4f: {  	p0 =	sne.s32 s19, $0x1;
	s19 =	sadd.s32 $0xFFFFFFFF, s19;
	[sflag:s6] =	ssyncadd.s32 $0xFFFFF63C  }
0x50: {  	[spmem:s7], [sflag:s5] =	dma.local [hbm:s4], $0x9C4  }
0x51: {  	_ =	swait.ge [sflag:s6], $0x9C4  }
0x52: {  	[sflag:s6] =	ssyncset.done $0x0  }
0x53: {  	[sflag:s6] =	ssyncadd.s32 $0xFFFFF63C  }
0x54: {  	[bflag:$0x0] =	sbarrier.arrive $0xFFFF  }
0x55: {  	[tilespmem:s3], [sflag:$0x2] =	stream.strided.gather [hbm4b:s8+s9], $0x7D0, s10, s9, $0x38;
	[tilespmem:$0xD2F0] =	vst v63  }
0x56: {  	_ =	swait.ge [sflag:s6], $0x7D0  }
0x57: {  	[sflag:s6] =	ssyncset.done $0x0  }
0x58: {  	[sflag:s6] =	ssyncadd.s32 $0xFFFFF830  }
0x59: {  	[tilespmem:s12], [sflag:$0x1] =	stream.indirect.gather [hbm4b:s11+s9], $0x20, s3, s9, $0xb8;
	[tilespmem:$0xD2F0] =	vst v63  }
0x5a: {  	_ =	swait.ge [sflag:s13], $0x7D00  }
0x5b: {  	[sflag:s13] =	ssyncset.done $0x0  }
0x5c: {  	[sflag:s13] =	ssyncadd.s32 $0xFFFF8300  }
0x5d: {  	[spmem:s2] =	stream.indirect.scatter.add.f32 [tilespmem:s12], [sflag:$0x2], $0x20, s9, s9, $0xb8;
	[tilespmem:$0xD2F0] =	vst v63  }
0x5e: {  	_ =	swait.ge [sflag:s6], $0x7D00  }
0x5f: {  	[sflag:s6] =	ssyncset.done $0x0  }
0x60: {  	[sflag:s6] =	ssyncadd.s32 $0xFFFF8300  }
0x61: {  	[tilespmem:s3], [sflag:$0x2] =	stream.strided.gather [hbm4b:s14+s9], $0x7D0, s10, s9, $0x38;
	[tilespmem:$0xD2F0] =	vst v63  }
0x62: {  	_ =	swait.ge [sflag:s6], $0x7D0  }
0x63: {  	[sflag:s6] =	ssyncset.done $0x0  }
0x64: {  	[sflag:s6] =	ssyncadd.s32 $0xFFFFF830  }
0x65: {  	[tilespmem:s12], [sflag:$0x1] =	stream.indirect.gather [hbm4b:s11+s9], $0x20, s3, s9, $0xb8;
	[tilespmem:$0xD2F0] =	vst v63  }
0x66: {  	_ =	swait.ge [sflag:s13], $0x7D00  }
0x67: {  	[sflag:s13] =	ssyncset.done $0x0  }
0x68: {  	[sflag:s13] =	ssyncadd.s32 $0xFFFF8300  }
0x69: {  	[spmem:s2] =	stream.indirect.scatter.add.f32 [tilespmem:s12], [sflag:$0x2], $0x20, s9, s9, $0xb8;
	[tilespmem:$0xD2F0] =	vst v63  }
0x6a: {  	_ =	swait.ge [sflag:s6], $0x7D00  }
0x6b: {  	[sflag:s6] =	ssyncset.done $0x0  }
0x6c: {  	[sflag:s6] =	ssyncadd.s32 $0xFFFF8300  }
0x6d: {  	[tilespmem:s3], [sflag:$0x2] =	stream.strided.gather [hbm4b:s15+s9], $0x7D0, s10, s9, $0x38;
	[tilespmem:$0xD2F0] =	vst v63  }
0x6e: {  	_ =	swait.ge [sflag:s6], $0x7D0  }
0x6f: {  	[sflag:s6] =	ssyncset.done $0x0  }
0x70: {  	[sflag:s6] =	ssyncadd.s32 $0xFFFFF830  }
0x71: {  	[tilespmem:s12], [sflag:$0x1] =	stream.indirect.gather [hbm4b:s11+s9], $0x20, s3, s9, $0xb8;
	[tilespmem:$0xD2F0] =	vst v63  }
0x72: {  	_ =	swait.ge [sflag:s13], $0x7D00  }
0x73: {  	[sflag:s13] =	ssyncset.done $0x0  }
0x74: {  	[sflag:s13] =	ssyncadd.s32 $0xFFFF8300  }
0x75: {  	[spmem:s2] =	stream.indirect.scatter.add.f32 [tilespmem:s12], [sflag:$0x2], $0x20, s9, s9, $0xb8;
	[tilespmem:$0xD2F0] =	vst v63  }
0x76: {  	_ =	swait.ge [sflag:s6], $0x7D00  }
0x77: {  	[sflag:s6] =	ssyncset.done $0x0  }
0x78: {  	[sflag:s6] =	ssyncadd.s32 $0xFFFF8300  }
0x79: {  	[tilespmem:s3], [sflag:$0x2] =	stream.strided.gather [hbm4b:s16+s9], $0x7D0, s10, s9, $0x38;
	[tilespmem:$0xD2F0] =	vst v63  }
0x7a: {  	_ =	swait.ge [sflag:s6], $0x7D0  }
0x7b: {  	[sflag:s6] =	ssyncset.done $0x0  }
0x7c: {  	[sflag:s6] =	ssyncadd.s32 $0xFFFFF830  }
0x7d: {  	[tilespmem:s12], [sflag:$0x1] =	stream.indirect.gather [hbm4b:s11+s9], $0x20, s3, s9, $0xb8;
	[tilespmem:$0xD2F0] =	vst v63  }
0x7e: {  	_ =	swait.ge [sflag:s13], $0x7D00  }
0x7f: {  	[sflag:s13] =	ssyncset.done $0x0  }
0x80: {  	[sflag:s13] =	ssyncadd.s32 $0xFFFF8300  }
0x81: {  	[spmem:s2] =	stream.indirect.scatter.add.f32 [tilespmem:s12], [sflag:$0x2], $0x20, s9, s9, $0xb8;
	[tilespmem:$0xD2F0] =	vst v63  }
0x82: {  	_ =	swait.ge [sflag:s6], $0x7D00  }
0x83: {  	[sflag:s6] =	ssyncset.done $0x0  }
0x84: {  	[sflag:s6] =	ssyncadd.s32 $0xFFFF8300  }
0x85: {  	[tilespmem:s3], [sflag:$0x2] =	stream.strided.gather [hbm4b:s17+s9], $0x7D0, s10, s9, $0x38;
	[tilespmem:$0xD2F0] =	vst v63  }
0x86: {  	_ =	swait.ge [sflag:s6], $0x7D0  }
0x87: {  	[sflag:s6] =	ssyncset.done $0x0  }
0x88: {  	[sflag:s6] =	ssyncadd.s32 $0xFFFFF830  }
0x89: {  	[tilespmem:s12], [sflag:$0x1] =	stream.indirect.gather [hbm4b:s11+s9], $0x20, s3, s9, $0xb8;
	[tilespmem:$0xD2F0] =	vst v63  }
0x8a: {  	_ =	swait.ge [sflag:s13], $0x7D00  }
0x8b: {  	[sflag:s13] =	ssyncset.done $0x0  }
0x8c: {  	[sflag:s13] =	ssyncadd.s32 $0xFFFF8300  }
0x8d: {  	[spmem:s2] =	stream.indirect.scatter.add.f32 [tilespmem:s12], [sflag:$0x2], $0x20, s9, s9, $0xb8;
	[tilespmem:$0xD2F0] =	vst v63  }
0x8e: {  	_ =	swait.ge [sflag:s6], $0x7D00  }
0x8f: {  	[sflag:s6] =	ssyncset.done $0x0  }
.Ltmp1:
0x90: {  	[sflag:s6] =	ssyncadd.s32 $0xFFFF8300;
	(pc) =	sbr.rel @p0 .LBB2_1-.Ltmp1, $4  }
0x91: {  	[bflag:$0x0] =	sbarrier.arrive $0xFFFF  }
0x92: {  	[hbm:s18], [sflag:s5] =	dma.local [spmem:s7], $0x9C4  }
0x93: {  	_ =	swait.ge [sflag:s6], $0x9C4  }
0x94: {  	[sflag:s6] =	ssyncset.done $0x0  }
.LBB2_2:
0x95: {  	[sflag:s6] =	ssyncadd.s32 $0xFFFFF63C  }
0x96: {  	_ =	sfence.sel $0x180000  }
0x97: {  	[bflag:$0x0] =	sbarrier.arrive $0xFFFF  }
0x98: {  	p0 =	sne.s32 s1, $0x0;
	_ =	strace $0x90000050  }
0x99: {  	s0 =	sadd.s32 @!p0 $0x100000, s0;
	[bflag:$0x2] =	sbarrier.arrive $0xFFFF  }
0x9a: {  	[sflag:s0] =	ssyncadd.tile.s32 @!p0 $0x1;
	_ =	shalt  }
.Lfunc_end2:
_tile_overlayer_lowered:
.L_overlay_start_2:
0x9b: {  	(tag) =	ssettag $0x2  }
0x9c: {  	s0 =	rddreg [dreg:$0x0];
	s2 =	stileid.u32  }
0x9d: {  	s1 =	rddreg [dreg:$0x1];
	p0 =	sne.s32 s2, $0x0  }
0x9e: {  	s3 =	rddreg [dreg:$0x2];
	[bflag:$0x3] =	sbarrier.arrive $0xFFFF;
	s2 =	simm.s32 @!p0 $0x1C02  }
0x9f: {  	[timem:s3], [sflag:s2] =	dma.local @!p0 [hbm:s0], s1  }
0xa0: {  	s0 =	simm.s32 @!p0 $0x2  }
0xa1: {  	_ =	swait.ge @!p0 [sflag:s0], s1  }
0xa2: {  	s1 =	ssub.s32 @!p0 $0x0, s1;
	[sflag:s0] =	ssyncset.done @!p0 $0x0  }
0xa3: {  	[sflag:s0] =	ssyncadd.s32 @!p0 s1  }
0xa4: {  	[bflag:$0x3] =	sbarrier.arrive $0xFFFF  }
0xa5: {  	_ =	shalt  }

</sc_bundles>
